<compile_context>
chip_gen: v7x
topology: tpu7x:2x2x1
jax: 0.10.2.dev20260603
libtpu: 0.0.44.dev20260713+nightly
codegen_flags: <defaults>
</compile_context>

<pallas_src>
import functools

import jax
import jax.numpy as jnp
from jax import lax
from jax.experimental import pallas as pl
from jax.experimental.pallas import tpu as pltpu
from jax.experimental.pallas import tpu_sc as plsc

N = 10000
E = 320000
D = 128
H = 64
G = 200

NC = 2
NS = 16
NW = NC * NS
CHUNK = 128
CPT = 80
E_PAD = NW * CPT * CHUNK
N_PAD = 10240
ROWS_PER_TILE = N_PAD // NS
ZSTEPS = ROWS_PER_TILE // CHUNK

_MESH = plsc.VectorSubcoreMesh(core_axis_name="c", subcore_axis_name="s")


@functools.partial(
    pl.kernel,
    out_type=jax.ShapeDtypeStruct((NC * N_PAD, D), jnp.float32),
    mesh=_MESH,
    scratch_types=[
        pltpu.VMEM((CPT, CHUNK), jnp.int32),
        pltpu.VMEM((CPT, CHUNK), jnp.int32),
        pltpu.VMEM((CHUNK, D), jnp.float32),
        pltpu.VMEM_SHARED((N_PAD, D), jnp.float32),
    ],
)
def _sc_agg(h_hbm, src_hbm, dst_hbm, out_hbm, src_v, dst_v, rows_v, acc_sh):
    cid = lax.axis_index("c")
    sid = lax.axis_index("s")
    wid = cid * NS + sid

    @pl.loop(0, CHUNK)
    def _(r):
        @pl.loop(0, D, step=16)
        def _(c):
            rows_v[r, pl.ds(c, 16)] = jnp.zeros((16,), jnp.float32)

    @pl.loop(0, ZSTEPS)
    def _(k):
        pltpu.sync_copy(
            rows_v,
            acc_sh.at[pl.ds(sid * ROWS_PER_TILE + k * CHUNK, CHUNK)],
        )

    plsc.subcore_barrier()

    pltpu.sync_copy(src_hbm.at[pl.ds(wid * CPT, CPT)], src_v)
    pltpu.sync_copy(dst_hbm.at[pl.ds(wid * CPT, CPT)], dst_v)

    @pl.loop(0, CPT)
    def _(j):
        pltpu.sync_copy(h_hbm.at[src_v.at[j]], rows_v)
        pltpu.sync_copy(rows_v, acc_sh.at[dst_v.at[j]], add=True)

    plsc.subcore_barrier()

    pltpu.sync_copy(
        acc_sh.at[pl.ds(sid * ROWS_PER_TILE, ROWS_PER_TILE)],
        out_hbm.at[pl.ds(cid * N_PAD + sid * ROWS_PER_TILE, ROWS_PER_TILE)],
    )


def _bf16_dot(a, b):
    return jnp.dot(a.astype(jnp.bfloat16), b.astype(jnp.bfloat16),
                   preferred_element_type=jnp.float32)


def _dense_part(h, parts, eps, wa, ba, wb, bb, g, bt, din):
    agg = parts[0:N, 0:din] + parts[N_PAD:N_PAD + N, 0:din]
    z = (1.0 + eps[0, 0]) * h[:, 0:din] + agg
    t = _bf16_dot(z, wa) + ba
    t = jnp.maximum(t, 0.0)
    t = _bf16_dot(t, wb) + bb
    t = jnp.maximum(t, 0.0)
    m = jnp.mean(t, axis=0, keepdims=True)
    v = jnp.mean(t * t, axis=0, keepdims=True) - m * m
    return (t - m) * lax.rsqrt(v + 1e-5) * g + bt


def _tc_layer_body(din, h_ref, parts_ref, eps_ref, wa_ref, ba_ref, wb_ref,
                   bb_ref, g_ref, bt_ref, o_ref):
    t = _dense_part(
        h_ref[...], parts_ref[...], eps_ref[...], wa_ref[...], ba_ref[...],
        wb_ref[...], bb_ref[...], g_ref[...], bt_ref[...], din)
    o_ref[...] = jnp.concatenate(
        [t, jnp.zeros((N, D - H), jnp.float32)], axis=1)


def _tc_final_body(h_ref, parts_ref, eps_ref, wa_ref, ba_ref, wb_ref, bb_ref,
                   g_ref, bt_ref, batch_ref, f1w_ref, f1b_ref, f2w_ref,
                   f2b_ref, o_ref):
    t = _dense_part(
        h_ref[...], parts_ref[...], eps_ref[...], wa_ref[...], ba_ref[...],
        wb_ref[...], bb_ref[...], g_ref[...], bt_ref[...], H)
    onehot = (batch_ref[...] ==
              lax.broadcasted_iota(jnp.int32, (N, G), 1)).astype(jnp.float32)
    pooled = lax.dot_general(onehot, t, (((0,), (0,)), ((), ())),
                             preferred_element_type=jnp.float32,
                             precision=lax.Precision.HIGHEST)
    p = jnp.maximum(_bf16_dot(pooled, f1w_ref[...]) + f1b_ref[...], 0.0)
    prod = (p.astype(jnp.bfloat16) *
            f2w_ref[...].astype(jnp.bfloat16)).astype(jnp.float32)
    o_ref[...] = jnp.sum(prod, axis=1, keepdims=True) + f2b_ref[...]


def _tc_layer(h, parts, p, din):
    wa, ba, wb, bb, eps, g, bt = p
    return pl.pallas_call(
        functools.partial(_tc_layer_body, din),
        out_shape=jax.ShapeDtypeStruct((N, D), jnp.float32),
    )(h, parts, eps.reshape(1, 1), wa, ba.reshape(1, H), wb, bb.reshape(1, H),
      g.reshape(1, H), bt.reshape(1, H))


def _tc_final(h, parts, p, batch, fc1, fc2):
    wa, ba, wb, bb, eps, g, bt = p
    return pl.pallas_call(
        _tc_final_body,
        out_shape=jax.ShapeDtypeStruct((G, 1), jnp.float32),
    )(h, parts, eps.reshape(1, 1), wa, ba.reshape(1, H), wb, bb.reshape(1, H),
      g.reshape(1, H), bt.reshape(1, H), batch.reshape(N, 1),
      fc1[0], fc1[1].reshape(1, 32), fc2[0].reshape(1, 32),
      fc2[1].reshape(1, 1))


def kernel(x, edge_index, batch, p1, p2, p3, p4, fc1, fc2):
    src = edge_index[0]
    dst = edge_index[1]
    pad = E_PAD - E
    src_p = jnp.concatenate(
        [src, jnp.zeros((pad,), jnp.int32)]).reshape(E_PAD // CHUNK, CHUNK)
    dst_p = jnp.concatenate(
        [dst, jnp.full((pad,), N, jnp.int32)]).reshape(E_PAD // CHUNK, CHUNK)

    parts = _sc_agg(x, src_p, dst_p)
    h = _tc_layer(x, parts, p1, D)
    for p in (p2, p3):
        parts = _sc_agg(h, src_p, dst_p)
        h = _tc_layer(h, parts, p, H)
    parts = _sc_agg(h, src_p, dst_p)
    return _tc_final(h, parts, p4, batch, fc1, fc2)

# --- scband reference (transcript-rebuilt; emitter-appended) ---
"""Pipeline reference for scband-gin-net-58291296141743 (READ-ONLY COPY).

The authoritative reference and input builder live on the scoring server;
editing this copy changes nothing except your own understanding.
"""

import jax, jax.numpy as jnp
import numpy as np

N = 10000
E = 320000
D = 128
H = 64
G = 200


def setup_inputs(seed: int = 0):
    key = jax.random.key(seed)
    ks = jax.random.split(key, 16)
    x = jax.random.normal(ks[0], (N, D), dtype=jnp.float32)
    edge_index = jax.random.randint(ks[1], (2, E), 0, N, dtype=jnp.int32)
    batch = jnp.sort(jax.random.randint(ks[2], (N,), 0, G, dtype=jnp.int32))

    def lin(k, i, o):
        return (jax.random.normal(k, (i, o), dtype=jnp.float32) * (1.0 / np.sqrt(i))).astype(jnp.float32)

    def gin_params(k, i):
        k1, k2 = jax.random.split(k)
        # (W_a, b_a, W_b, b_b, eps, bn_gamma, bn_beta)
        return (lin(k1, i, H), jnp.zeros((H,), jnp.float32),
                lin(k2, H, H), jnp.zeros((H,), jnp.float32),
                jnp.zeros((), jnp.float32),
                jnp.ones((H,), jnp.float32), jnp.zeros((H,), jnp.float32))

    p1 = gin_params(ks[3], D)
    p2 = gin_params(ks[4], H)
    p3 = gin_params(ks[5], H)
    p4 = gin_params(ks[6], H)
    fc1 = (lin(ks[7], H, 32), jnp.zeros((32,), jnp.float32))
    fc2 = (lin(ks[8], 32, 1), jnp.zeros((1,), jnp.float32))
    return {"x": x, "edge_index": edge_index, "batch": batch,
            "p1": p1, "p2": p2, "p3": p3, "p4": p4, "fc1": fc1, "fc2": fc2}


def _gin_bn(x, src, dst, p):
    Wa, ba, Wb, bb, eps, g, b = p
    # GINConv with train_eps=True (eps init 0): nn((1+eps)*x + sum_{j in N(i)} x_j)
    agg = jax.ops.segment_sum(x[src], dst, num_segments=N)
    h = (1.0 + eps) * x + agg
    h = jnp.maximum(h @ Wa + ba, 0.0) @ Wb + bb
    # F.relu then BatchNorm1d (training mode, batch statistics, eps=1e-5)
    h = jnp.maximum(h, 0.0)
    m = h.mean(axis=0)
    v = h.var(axis=0)
    return (h - m) / jnp.sqrt(v + 1e-5) * g + b


def reference(x, edge_index, batch, p1, p2, p3, p4, fc1, fc2):
    src = edge_index[0]
    dst = edge_index[1]
    h = _gin_bn(x, src, dst, p1)
    h = _gin_bn(h, src, dst, p2)
    h = _gin_bn(h, src, dst, p3)
    h = _gin_bn(h, src, dst, p4)
    pooled = jax.ops.segment_sum(h, batch, num_segments=G)  # global_add_pool
    h = jnp.maximum(pooled @ fc1[0] + fc1[1], 0.0)
    return h @ fc2[0] + fc2[1]

if __name__ == "__main__":
    import jax
    _d = setup_inputs()
    print(jax.jit(kernel)(*tuple(_d.values())))

</pallas_src>

<mosaic_0001>
#map = affine_map<(d0, d1) -> (0, 0)>
module attributes {stable_mosaic.version = 14 : i64} {
  func.func @_sc_agg(%arg0: i32, %arg1: i32, %arg2: memref<10000x128xf32, #tpu.memory_space<hbm>>, %arg3: memref<2560x128xi32, #tpu.memory_space<hbm>>, %arg4: memref<2560x128xi32, #tpu.memory_space<hbm>>, %arg5: memref<20480x128xf32, #tpu.memory_space<hbm>>, %arg6: memref<80x128xi32, #tpu.memory_space<vmem>>, %arg7: memref<80x128xi32, #tpu.memory_space<vmem>>, %arg8: memref<128x128xf32, #tpu.memory_space<vmem>>, %arg9: memref<10240x128xf32, #tpu.memory_space<vmem_shared>>) attributes {dimension_semantics = [#tpu.dimension_semantics<core_parallel>, #tpu.dimension_semantics<subcore_parallel>], iteration_bounds = array<i64: 2, 16>, scalar_prefetch = 0 : i64, scratch_operands = 4 : i64, tpu.core_type = #tpu.core_type<sc_vector_subcore>, window_params = [{transform_indices = #map}, {transform_indices = #map}, {transform_indices = #map}, {transform_indices = #map}]} {
    %mul3A = arith.constant 16 : i32
    %mul3A_0 = arith.muli %arg0, %mul3A : i32
    %add3A = arith.addi %mul3A_0, %arg1 : i32
    %scan3A = arith.constant 0 : i32
    %scan3A_1 = arith.constant 128 : i32
    %scan3A_2 = arith.addi %scan3A, %scan3A_1 : i32
    %scan3A_3 = arith.constant 1 : i32
    scf.for %scan3A_27 = %scan3A to %scan3A_2 step %scan3A_3  : i32 {
      %mul3A_28 = arith.constant 1 : i32
      %mul3A_29 = arith.muli %scan3A_27, %mul3A_28 : i32
      %add3A_30 = arith.constant 0 : i32
      %add3A_31 = arith.addi %add3A_30, %mul3A_29 : i32
      %scan3A_32 = arith.constant 0 : i32
      %scan3A_33 = arith.constant 8 : i32
      %scan3A_34 = arith.addi %scan3A_32, %scan3A_33 : i32
      %scan3A_35 = arith.constant 1 : i32
      scf.for %scan3A_37 = %scan3A_32 to %scan3A_34 step %scan3A_35  : i32 {
        %mul3A_38 = arith.constant 16 : i32
        %mul3A_39 = arith.muli %scan3A_37, %mul3A_38 : i32
        %add3A_40 = arith.constant 0 : i32
        %add3A_41 = arith.addi %add3A_40, %mul3A_39 : i32
        %broadcast_in_dim3A = arith.constant 0.000000e+00 : f32
        %broadcast_in_dim3A_42 = vector.broadcast %broadcast_in_dim3A : f32 to vector<16xf32>
        %swap3A = arith.index_cast %add3A_31 : i32 to index
        %swap3A_43 = arith.index_cast %add3A_41 : i32 to index
        %swap3A_44 = tpu.vector_load %arg8[%swap3A, %swap3A_43] {strides = array<i32>} : memref<128x128xf32, #tpu.memory_space<vmem>>, vector<1x16xf32>,
        %swap3A_45 = vector.shape_cast %swap3A_44 : vector<1x16xf32> to vector<16xf32>
        %swap3A_46 = vector.shape_cast %broadcast_in_dim3A_42 : vector<16xf32> to vector<1x16xf32>
        tpu.vector_store %arg8[%swap3A, %swap3A_43], %swap3A_46 {strides = array<i32>} : memref<128x128xf32, #tpu.memory_space<vmem>>, vector<1x16xf32>,
      }
      %scan3A_36 = arith.constant 8 : i32
    }
    %scan3A_4 = arith.constant 128 : i32
    %scan3A_5 = arith.constant 0 : i32
    %scan3A_6 = arith.constant 5 : i32
    %scan3A_7 = arith.addi %scan3A_5, %scan3A_6 : i32
    %scan3A_8 = arith.constant 1 : i32
    scf.for %scan3A_27 = %scan3A_5 to %scan3A_7 step %scan3A_8  : i32 {
      %mul3A_28 = arith.constant 1 : i32
      %mul3A_29 = arith.muli %scan3A_27, %mul3A_28 : i32
      %add3A_30 = arith.constant 0 : i32
      %add3A_31 = arith.addi %add3A_30, %mul3A_29 : i32
      %mul3A_32 = arith.constant 640 : i32
      %mul3A_33 = arith.muli %arg1, %mul3A_32 : i32
      %mul3A_34 = arith.constant 128 : i32
      %mul3A_35 = arith.muli %add3A_31, %mul3A_34 : i32
      %add3A_36 = arith.addi %mul3A_33, %mul3A_35 : i32
      "tpu.region"() ({
        %run_scoped3A = tpu.sem_alloc : memref<!tpu.dma_semaphore, #tpu.memory_space<semaphore_mem>>
        %dma_start3A = arith.constant 0 : i32
        %dma_start3A_37 = tpu.memref_slice %arg9[%add3A_36, %dma_start3A] : memref<10240x128xf32, #tpu.memory_space<vmem_shared>> -> memref<128x128xf32, #tpu.memory_space<vmem_shared>>
        %dma_start3A_38 = arith.constant 0 : i32
        %dma_start3A_39 = tpu.memref_slice %arg9[%add3A_36, %dma_start3A_38] : memref<10240x128xf32, #tpu.memory_space<vmem_shared>> -> memref<128x128xf32, #tpu.memory_space<vmem_shared>>
        tpu.enqueue_dma source(%arg8 : memref<128x128xf32, #tpu.memory_space<vmem>>) target(%dma_start3A_39 : memref<128x128xf32, #tpu.memory_space<vmem_shared>>) target_semaphore(%run_scoped3A : memref<!tpu.dma_semaphore, #tpu.memory_space<semaphore_mem>>)
        %dma_wait3A = arith.constant 0 : i32
        %dma_wait3A_40 = tpu.memref_slice %arg9[%add3A_36, %dma_wait3A] : memref<10240x128xf32, #tpu.memory_space<vmem_shared>> -> memref<128x128xf32, #tpu.memory_space<vmem_shared>>
        %dma_wait3A_41 = arith.constant 0 : i32
        %dma_wait3A_42 = tpu.memref_slice %arg9[%add3A_36, %dma_wait3A_41] : memref<10240x128xf32, #tpu.memory_space<vmem_shared>> -> memref<128x128xf32, #tpu.memory_space<vmem_shared>>
        tpu.wait_dma2 semaphore(%run_scoped3A : memref<!tpu.dma_semaphore, #tpu.memory_space<semaphore_mem>>) src(%arg8 : memref<128x128xf32, #tpu.memory_space<vmem>>) dst(%dma_wait3A_42 : memref<128x128xf32, #tpu.memory_space<vmem_shared>>)
        tpu.yield
      }) : () -> ()
    }
    %scan3A_9 = arith.constant 5 : i32
    %barrier3A = arith.constant 0 : index
    tpu.barrier barrier_id(%barrier3A)
    %mul3A_10 = arith.constant 80 : i32
    %mul3A_11 = arith.muli %add3A, %mul3A_10 : i32
    "tpu.region"() ({
      %run_scoped3A = tpu.sem_alloc : memref<!tpu.dma_semaphore, #tpu.memory_space<semaphore_mem>>
      %dma_start3A = arith.constant 0 : i32
      %dma_start3A_27 = tpu.memref_slice %arg3[%mul3A_11, %dma_start3A] : memref<2560x128xi32, #tpu.memory_space<hbm>> -> memref<80x128xi32, #tpu.memory_space<hbm>>
      %dma_start3A_28 = arith.constant 0 : i32
      %dma_start3A_29 = tpu.memref_slice %arg3[%mul3A_11, %dma_start3A_28] : memref<2560x128xi32, #tpu.memory_space<hbm>> -> memref<80x128xi32, #tpu.memory_space<hbm>>
      tpu.enqueue_dma source(%dma_start3A_29 : memref<80x128xi32, #tpu.memory_space<hbm>>) target(%arg6 : memref<80x128xi32, #tpu.memory_space<vmem>>) target_semaphore(%run_scoped3A : memref<!tpu.dma_semaphore, #tpu.memory_space<semaphore_mem>>)
      %dma_wait3A = arith.constant 0 : i32
      %dma_wait3A_30 = tpu.memref_slice %arg3[%mul3A_11, %dma_wait3A] : memref<2560x128xi32, #tpu.memory_space<hbm>> -> memref<80x128xi32, #tpu.memory_space<hbm>>
      %dma_wait3A_31 = arith.constant 0 : i32
      %dma_wait3A_32 = tpu.memref_slice %arg3[%mul3A_11, %dma_wait3A_31] : memref<2560x128xi32, #tpu.memory_space<hbm>> -> memref<80x128xi32, #tpu.memory_space<hbm>>
      tpu.wait_dma2 semaphore(%run_scoped3A : memref<!tpu.dma_semaphore, #tpu.memory_space<semaphore_mem>>) src(%dma_wait3A_32 : memref<80x128xi32, #tpu.memory_space<hbm>>) dst(%arg6 : memref<80x128xi32, #tpu.memory_space<vmem>>)
      tpu.yield
    }) : () -> ()
    %mul3A_12 = arith.constant 80 : i32
    %mul3A_13 = arith.muli %add3A, %mul3A_12 : i32
    "tpu.region"() ({
      %run_scoped3A = tpu.sem_alloc : memref<!tpu.dma_semaphore, #tpu.memory_space<semaphore_mem>>
      %dma_start3A = arith.constant 0 : i32
      %dma_start3A_27 = tpu.memref_slice %arg4[%mul3A_13, %dma_start3A] : memref<2560x128xi32, #tpu.memory_space<hbm>> -> memref<80x128xi32, #tpu.memory_space<hbm>>
      %dma_start3A_28 = arith.constant 0 : i32
      %dma_start3A_29 = tpu.memref_slice %arg4[%mul3A_13, %dma_start3A_28] : memref<2560x128xi32, #tpu.memory_space<hbm>> -> memref<80x128xi32, #tpu.memory_space<hbm>>
      tpu.enqueue_dma source(%dma_start3A_29 : memref<80x128xi32, #tpu.memory_space<hbm>>) target(%arg7 : memref<80x128xi32, #tpu.memory_space<vmem>>) target_semaphore(%run_scoped3A : memref<!tpu.dma_semaphore, #tpu.memory_space<semaphore_mem>>)
      %dma_wait3A = arith.constant 0 : i32
      %dma_wait3A_30 = tpu.memref_slice %arg4[%mul3A_13, %dma_wait3A] : memref<2560x128xi32, #tpu.memory_space<hbm>> -> memref<80x128xi32, #tpu.memory_space<hbm>>
      %dma_wait3A_31 = arith.constant 0 : i32
      %dma_wait3A_32 = tpu.memref_slice %arg4[%mul3A_13, %dma_wait3A_31] : memref<2560x128xi32, #tpu.memory_space<hbm>> -> memref<80x128xi32, #tpu.memory_space<hbm>>
      tpu.wait_dma2 semaphore(%run_scoped3A : memref<!tpu.dma_semaphore, #tpu.memory_space<semaphore_mem>>) src(%dma_wait3A_32 : memref<80x128xi32, #tpu.memory_space<hbm>>) dst(%arg7 : memref<80x128xi32, #tpu.memory_space<vmem>>)
      tpu.yield
    }) : () -> ()
    %scan3A_14 = arith.constant 0 : i32
    %scan3A_15 = arith.constant 80 : i32
    %scan3A_16 = arith.addi %scan3A_14, %scan3A_15 : i32
    %scan3A_17 = arith.constant 1 : i32
    scf.for %scan3A_27 = %scan3A_14 to %scan3A_16 step %scan3A_17  : i32 {
      %mul3A_28 = arith.constant 1 : i32
      %mul3A_29 = arith.muli %scan3A_27, %mul3A_28 : i32
      %add3A_30 = arith.constant 0 : i32
      %add3A_31 = arith.addi %add3A_30, %mul3A_29 : i32
      "tpu.region"() ({
        %run_scoped3A = tpu.sem_alloc : memref<!tpu.dma_semaphore, #tpu.memory_space<semaphore_mem>>
        %dma_start3A = arith.constant 0 : i32
        %dma_start3A_32 = tpu.memref_slice %arg6[%add3A_31, %dma_start3A] : memref<80x128xi32, #tpu.memory_space<vmem>> -> memref<1x128xi32, #tpu.memory_space<vmem>>
        %dma_start3A_33 = tpu.memref_squeeze %dma_start3A_32 : memref<1x128xi32, #tpu.memory_space<vmem>> -> memref<128xi32, #tpu.memory_space<vmem>>
        %dma_start3A_34 = arith.constant 0 : i32
        %dma_start3A_35 = arith.constant 0 : i32
        %dma_start3A_36 = tpu.memref_slice %arg2[%dma_start3A_34, %dma_start3A_35] : memref<10000x128xf32, #tpu.memory_space<hbm>> -> memref<10000x128xf32, #tpu.memory_space<hbm>>
        tpu.enqueue_indirect_dma source(%dma_start3A_36 : memref<10000x128xf32, #tpu.memory_space<hbm>>) target(%arg8 : memref<128x128xf32, #tpu.memory_space<vmem>>) offsets(%dma_start3A_33 : memref<128xi32, #tpu.memory_space<vmem>>) semaphore(%run_scoped3A : memref<!tpu.dma_semaphore, #tpu.memory_space<semaphore_mem>>)
        %dma_wait3A = arith.constant 0 : i32
        %dma_wait3A_37 = tpu.memref_slice %arg6[%add3A_31, %dma_wait3A] : memref<80x128xi32, #tpu.memory_space<vmem>> -> memref<1x128xi32, #tpu.memory_space<vmem>>
        %dma_wait3A_38 = tpu.memref_squeeze %dma_wait3A_37 : memref<1x128xi32, #tpu.memory_space<vmem>> -> memref<128xi32, #tpu.memory_space<vmem>>
        %dma_wait3A_39 = arith.constant 0 : i32
        %dma_wait3A_40 = arith.constant 0 : i32
        %dma_wait3A_41 = tpu.memref_slice %arg2[%dma_wait3A_39, %dma_wait3A_40] : memref<10000x128xf32, #tpu.memory_space<hbm>> -> memref<10000x128xf32, #tpu.memory_space<hbm>>
        tpu.wait_indirect_dma semaphore(%run_scoped3A : memref<!tpu.dma_semaphore, #tpu.memory_space<semaphore_mem>>) src(%dma_wait3A_41 : memref<10000x128xf32, #tpu.memory_space<hbm>>) dst(%arg8 : memref<128x128xf32, #tpu.memory_space<vmem>>)
        tpu.yield
      }) : () -> ()
      "tpu.region"() ({
        %run_scoped3A = tpu.sem_alloc : memref<!tpu.dma_semaphore, #tpu.memory_space<semaphore_mem>>
        %dma_start3A = arith.constant 0 : i32
        %dma_start3A_32 = tpu.memref_slice %arg7[%add3A_31, %dma_start3A] : memref<80x128xi32, #tpu.memory_space<vmem>> -> memref<1x128xi32, #tpu.memory_space<vmem>>
        %dma_start3A_33 = tpu.memref_squeeze %dma_start3A_32 : memref<1x128xi32, #tpu.memory_space<vmem>> -> memref<128xi32, #tpu.memory_space<vmem>>
        %dma_start3A_34 = arith.constant 0 : i32
        %dma_start3A_35 = arith.constant 0 : i32
        %dma_start3A_36 = tpu.memref_slice %arg9[%dma_start3A_34, %dma_start3A_35] : memref<10240x128xf32, #tpu.memory_space<vmem_shared>> -> memref<10240x128xf32, #tpu.memory_space<vmem_shared>>
        tpu.enqueue_indirect_dma source(%arg8 : memref<128x128xf32, #tpu.memory_space<vmem>>) target(%dma_start3A_36 : memref<10240x128xf32, #tpu.memory_space<vmem_shared>>) offsets(%dma_start3A_33 : memref<128xi32, #tpu.memory_space<vmem>>) semaphore(%run_scoped3A : memref<!tpu.dma_semaphore, #tpu.memory_space<semaphore_mem>>) {add = true}
        %dma_wait3A = arith.constant 0 : i32
        %dma_wait3A_37 = tpu.memref_slice %arg7[%add3A_31, %dma_wait3A] : memref<80x128xi32, #tpu.memory_space<vmem>> -> memref<1x128xi32, #tpu.memory_space<vmem>>
        %dma_wait3A_38 = tpu.memref_squeeze %dma_wait3A_37 : memref<1x128xi32, #tpu.memory_space<vmem>> -> memref<128xi32, #tpu.memory_space<vmem>>
        %dma_wait3A_39 = arith.constant 0 : i32
        %dma_wait3A_40 = arith.constant 0 : i32
        %dma_wait3A_41 = tpu.memref_slice %arg9[%dma_wait3A_39, %dma_wait3A_40] : memref<10240x128xf32, #tpu.memory_space<vmem_shared>> -> memref<10240x128xf32, #tpu.memory_space<vmem_shared>>
        tpu.wait_indirect_dma semaphore(%run_scoped3A : memref<!tpu.dma_semaphore, #tpu.memory_space<semaphore_mem>>) src(%arg8 : memref<128x128xf32, #tpu.memory_space<vmem>>) dst(%dma_wait3A_41 : memref<10240x128xf32, #tpu.memory_space<vmem_shared>>)
        tpu.yield
      }) : () -> ()
    }
    %scan3A_18 = arith.constant 80 : i32
    %barrier3A_19 = arith.constant 0 : index
    tpu.barrier barrier_id(%barrier3A_19)
    %mul3A_20 = arith.constant 640 : i32
    %mul3A_21 = arith.muli %arg1, %mul3A_20 : i32
    %mul3A_22 = arith.constant 10240 : i32
    %mul3A_23 = arith.muli %arg0, %mul3A_22 : i32
    %mul3A_24 = arith.constant 640 : i32
    %mul3A_25 = arith.muli %arg1, %mul3A_24 : i32
    %add3A_26 = arith.addi %mul3A_23, %mul3A_25 : i32
    "tpu.region"() ({
      %run_scoped3A = tpu.sem_alloc : memref<!tpu.dma_semaphore, #tpu.memory_space<semaphore_mem>>
      %dma_start3A = arith.constant 0 : i32
      %dma_start3A_27 = tpu.memref_slice %arg5[%add3A_26, %dma_start3A] : memref<20480x128xf32, #tpu.memory_space<hbm>> -> memref<640x128xf32, #tpu.memory_space<hbm>>
      %dma_start3A_28 = arith.constant 0 : i32
      %dma_start3A_29 = tpu.memref_slice %arg9[%mul3A_21, %dma_start3A_28] : memref<10240x128xf32, #tpu.memory_space<vmem_shared>> -> memref<640x128xf32, #tpu.memory_space<vmem_shared>>
      tpu.enqueue_dma source(%dma_start3A_29 : memref<640x128xf32, #tpu.memory_space<vmem_shared>>) target(%dma_start3A_27 : memref<640x128xf32, #tpu.memory_space<hbm>>) target_semaphore(%run_scoped3A : memref<!tpu.dma_semaphore, #tpu.memory_space<semaphore_mem>>)
      %dma_wait3A = arith.constant 0 : i32
      %dma_wait3A_30 = tpu.memref_slice %arg5[%add3A_26, %dma_wait3A] : memref<20480x128xf32, #tpu.memory_space<hbm>> -> memref<640x128xf32, #tpu.memory_space<hbm>>
      %dma_wait3A_31 = arith.constant 0 : i32
      %dma_wait3A_32 = tpu.memref_slice %arg9[%mul3A_21, %dma_wait3A_31] : memref<10240x128xf32, #tpu.memory_space<vmem_shared>> -> memref<640x128xf32, #tpu.memory_space<vmem_shared>>
      tpu.wait_dma2 semaphore(%run_scoped3A : memref<!tpu.dma_semaphore, #tpu.memory_space<semaphore_mem>>) src(%dma_wait3A_32 : memref<640x128xf32, #tpu.memory_space<vmem_shared>>) dst(%dma_wait3A_30 : memref<640x128xf32, #tpu.memory_space<hbm>>)
      tpu.yield
    }) : () -> ()
    return
  }
}

#map = affine_map<(d0, d1) -> (0, 0)>
module attributes {stable_mosaic.version = 14 : i64} {
  func.func @_sc_agg(%arg0: i32, %arg1: i32, %arg2: memref<10000x128xf32, #tpu.memory_space<hbm>>, %arg3: memref<2560x128xi32, #tpu.memory_space<hbm>>, %arg4: memref<2560x128xi32, #tpu.memory_space<hbm>>, %arg5: memref<20480x128xf32, #tpu.memory_space<hbm>>, %arg6: memref<80x128xi32, #tpu.memory_space<vmem>>, %arg7: memref<80x128xi32, #tpu.memory_space<vmem>>, %arg8: memref<128x128xf32, #tpu.memory_space<vmem>>, %arg9: memref<10240x128xf32, #tpu.memory_space<vmem_shared>>) attributes {dimension_semantics = [#tpu.dimension_semantics<core_parallel>, #tpu.dimension_semantics<subcore_parallel>], iteration_bounds = array<i64: 2, 16>, scalar_prefetch = 0 : i64, scratch_operands = 4 : i64, tpu.core_type = #tpu.core_type<sc_vector_subcore>, window_params = [{transform_indices = #map}, {transform_indices = #map}, {transform_indices = #map}, {transform_indices = #map}]} {
    %mul3A = arith.constant 16 : i32
    %mul3A_0 = arith.muli %arg0, %mul3A : i32
    %add3A = arith.addi %mul3A_0, %arg1 : i32
    %scan3A = arith.constant 0 : i32
    %scan3A_1 = arith.constant 128 : i32
    %scan3A_2 = arith.addi %scan3A, %scan3A_1 : i32
    %scan3A_3 = arith.constant 1 : i32
    scf.for %scan3A_27 = %scan3A to %scan3A_2 step %scan3A_3  : i32 {
      %mul3A_28 = arith.constant 1 : i32
      %mul3A_29 = arith.muli %scan3A_27, %mul3A_28 : i32
      %add3A_30 = arith.constant 0 : i32
      %add3A_31 = arith.addi %add3A_30, %mul3A_29 : i32
      %scan3A_32 = arith.constant 0 : i32
      %scan3A_33 = arith.constant 8 : i32
      %scan3A_34 = arith.addi %scan3A_32, %scan3A_33 : i32
      %scan3A_35 = arith.constant 1 : i32
      scf.for %scan3A_37 = %scan3A_32 to %scan3A_34 step %scan3A_35  : i32 {
        %mul3A_38 = arith.constant 16 : i32
        %mul3A_39 = arith.muli %scan3A_37, %mul3A_38 : i32
        %add3A_40 = arith.constant 0 : i32
        %add3A_41 = arith.addi %add3A_40, %mul3A_39 : i32
        %broadcast_in_dim3A = arith.constant 0.000000e+00 : f32
        %broadcast_in_dim3A_42 = vector.broadcast %broadcast_in_dim3A : f32 to vector<16xf32>
        %swap3A = arith.index_cast %add3A_31 : i32 to index
        %swap3A_43 = arith.index_cast %add3A_41 : i32 to index
        %swap3A_44 = tpu.vector_load %arg8[%swap3A, %swap3A_43] {strides = array<i32>} : memref<128x128xf32, #tpu.memory_space<vmem>>, vector<1x16xf32>,
        %swap3A_45 = vector.shape_cast %swap3A_44 : vector<1x16xf32> to vector<16xf32>
        %swap3A_46 = vector.shape_cast %broadcast_in_dim3A_42 : vector<16xf32> to vector<1x16xf32>
        tpu.vector_store %arg8[%swap3A, %swap3A_43], %swap3A_46 {strides = array<i32>} : memref<128x128xf32, #tpu.memory_space<vmem>>, vector<1x16xf32>,
      }
      %scan3A_36 = arith.constant 8 : i32
    }
    %scan3A_4 = arith.constant 128 : i32
    %scan3A_5 = arith.constant 0 : i32
    %scan3A_6 = arith.constant 5 : i32
    %scan3A_7 = arith.addi %scan3A_5, %scan3A_6 : i32
    %scan3A_8 = arith.constant 1 : i32
    scf.for %scan3A_27 = %scan3A_5 to %scan3A_7 step %scan3A_8  : i32 {
      %mul3A_28 = arith.constant 1 : i32
      %mul3A_29 = arith.muli %scan3A_27, %mul3A_28 : i32
      %add3A_30 = arith.constant 0 : i32
      %add3A_31 = arith.addi %add3A_30, %mul3A_29 : i32
      %mul3A_32 = arith.constant 640 : i32
      %mul3A_33 = arith.muli %arg1, %mul3A_32 : i32
      %mul3A_34 = arith.constant 128 : i32
      %mul3A_35 = arith.muli %add3A_31, %mul3A_34 : i32
      %add3A_36 = arith.addi %mul3A_33, %mul3A_35 : i32
      "tpu.region"() ({
        %run_scoped3A = tpu.sem_alloc : memref<!tpu.dma_semaphore, #tpu.memory_space<semaphore_mem>>
        %dma_start3A = arith.constant 0 : i32
        %dma_start3A_37 = tpu.memref_slice %arg9[%add3A_36, %dma_start3A] : memref<10240x128xf32, #tpu.memory_space<vmem_shared>> -> memref<128x128xf32, #tpu.memory_space<vmem_shared>>
        %dma_start3A_38 = arith.constant 0 : i32
        %dma_start3A_39 = tpu.memref_slice %arg9[%add3A_36, %dma_start3A_38] : memref<10240x128xf32, #tpu.memory_space<vmem_shared>> -> memref<128x128xf32, #tpu.memory_space<vmem_shared>>
        tpu.enqueue_dma source(%arg8 : memref<128x128xf32, #tpu.memory_space<vmem>>) target(%dma_start3A_39 : memref<128x128xf32, #tpu.memory_space<vmem_shared>>) target_semaphore(%run_scoped3A : memref<!tpu.dma_semaphore, #tpu.memory_space<semaphore_mem>>)
        %dma_wait3A = arith.constant 0 : i32
        %dma_wait3A_40 = tpu.memref_slice %arg9[%add3A_36, %dma_wait3A] : memref<10240x128xf32, #tpu.memory_space<vmem_shared>> -> memref<128x128xf32, #tpu.memory_space<vmem_shared>>
        %dma_wait3A_41 = arith.constant 0 : i32
        %dma_wait3A_42 = tpu.memref_slice %arg9[%add3A_36, %dma_wait3A_41] : memref<10240x128xf32, #tpu.memory_space<vmem_shared>> -> memref<128x128xf32, #tpu.memory_space<vmem_shared>>
        tpu.wait_dma2 semaphore(%run_scoped3A : memref<!tpu.dma_semaphore, #tpu.memory_space<semaphore_mem>>) src(%arg8 : memref<128x128xf32, #tpu.memory_space<vmem>>) dst(%dma_wait3A_42 : memref<128x128xf32, #tpu.memory_space<vmem_shared>>)
        tpu.yield
      }) : () -> ()
    }
    %scan3A_9 = arith.constant 5 : i32
    %barrier3A = arith.constant 0 : index
    tpu.barrier barrier_id(%barrier3A)
    %mul3A_10 = arith.constant 80 : i32
    %mul3A_11 = arith.muli %add3A, %mul3A_10 : i32
    "tpu.region"() ({
      %run_scoped3A = tpu.sem_alloc : memref<!tpu.dma_semaphore, #tpu.memory_space<semaphore_mem>>
      %dma_start3A = arith.constant 0 : i32
      %dma_start3A_27 = tpu.memref_slice %arg3[%mul3A_11, %dma_start3A] : memref<2560x128xi32, #tpu.memory_space<hbm>> -> memref<80x128xi32, #tpu.memory_space<hbm>>
      %dma_start3A_28 = arith.constant 0 : i32
      %dma_start3A_29 = tpu.memref_slice %arg3[%mul3A_11, %dma_start3A_28] : memref<2560x128xi32, #tpu.memory_space<hbm>> -> memref<80x128xi32, #tpu.memory_space<hbm>>
      tpu.enqueue_dma source(%dma_start3A_29 : memref<80x128xi32, #tpu.memory_space<hbm>>) target(%arg6 : memref<80x128xi32, #tpu.memory_space<vmem>>) target_semaphore(%run_scoped3A : memref<!tpu.dma_semaphore, #tpu.memory_space<semaphore_mem>>)
      %dma_wait3A = arith.constant 0 : i32
      %dma_wait3A_30 = tpu.memref_slice %arg3[%mul3A_11, %dma_wait3A] : memref<2560x128xi32, #tpu.memory_space<hbm>> -> memref<80x128xi32, #tpu.memory_space<hbm>>
      %dma_wait3A_31 = arith.constant 0 : i32
      %dma_wait3A_32 = tpu.memref_slice %arg3[%mul3A_11, %dma_wait3A_31] : memref<2560x128xi32, #tpu.memory_space<hbm>> -> memref<80x128xi32, #tpu.memory_space<hbm>>
      tpu.wait_dma2 semaphore(%run_scoped3A : memref<!tpu.dma_semaphore, #tpu.memory_space<semaphore_mem>>) src(%dma_wait3A_32 : memref<80x128xi32, #tpu.memory_space<hbm>>) dst(%arg6 : memref<80x128xi32, #tpu.memory_space<vmem>>)
      tpu.yield
    }) : () -> ()
    %mul3A_12 = arith.constant 80 : i32
    %mul3A_13 = arith.muli %add3A, %mul3A_12 : i32
    "tpu.region"() ({
      %run_scoped3A = tpu.sem_alloc : memref<!tpu.dma_semaphore, #tpu.memory_space<semaphore_mem>>
      %dma_start3A = arith.constant 0 : i32
      %dma_start3A_27 = tpu.memref_slice %arg4[%mul3A_13, %dma_start3A] : memref<2560x128xi32, #tpu.memory_space<hbm>> -> memref<80x128xi32, #tpu.memory_space<hbm>>
      %dma_start3A_28 = arith.constant 0 : i32
      %dma_start3A_29 = tpu.memref_slice %arg4[%mul3A_13, %dma_start3A_28] : memref<2560x128xi32, #tpu.memory_space<hbm>> -> memref<80x128xi32, #tpu.memory_space<hbm>>
      tpu.enqueue_dma source(%dma_start3A_29 : memref<80x128xi32, #tpu.memory_space<hbm>>) target(%arg7 : memref<80x128xi32, #tpu.memory_space<vmem>>) target_semaphore(%run_scoped3A : memref<!tpu.dma_semaphore, #tpu.memory_space<semaphore_mem>>)
      %dma_wait3A = arith.constant 0 : i32
      %dma_wait3A_30 = tpu.memref_slice %arg4[%mul3A_13, %dma_wait3A] : memref<2560x128xi32, #tpu.memory_space<hbm>> -> memref<80x128xi32, #tpu.memory_space<hbm>>
      %dma_wait3A_31 = arith.constant 0 : i32
      %dma_wait3A_32 = tpu.memref_slice %arg4[%mul3A_13, %dma_wait3A_31] : memref<2560x128xi32, #tpu.memory_space<hbm>> -> memref<80x128xi32, #tpu.memory_space<hbm>>
      tpu.wait_dma2 semaphore(%run_scoped3A : memref<!tpu.dma_semaphore, #tpu.memory_space<semaphore_mem>>) src(%dma_wait3A_32 : memref<80x128xi32, #tpu.memory_space<hbm>>) dst(%arg7 : memref<80x128xi32, #tpu.memory_space<vmem>>)
      tpu.yield
    }) : () -> ()
    %scan3A_14 = arith.constant 0 : i32
    %scan3A_15 = arith.constant 80 : i32
    %scan3A_16 = arith.addi %scan3A_14, %scan3A_15 : i32
    %scan3A_17 = arith.constant 1 : i32
    scf.for %scan3A_27 = %scan3A_14 to %scan3A_16 step %scan3A_17  : i32 {
      %mul3A_28 = arith.constant 1 : i32
      %mul3A_29 = arith.muli %scan3A_27, %mul3A_28 : i32
      %add3A_30 = arith.constant 0 : i32
      %add3A_31 = arith.addi %add3A_30, %mul3A_29 : i32
      "tpu.region"() ({
        %run_scoped3A = tpu.sem_alloc : memref<!tpu.dma_semaphore, #tpu.memory_space<semaphore_mem>>
        %dma_start3A = arith.constant 0 : i32
        %dma_start3A_32 = tpu.memref_slice %arg6[%add3A_31, %dma_start3A] : memref<80x128xi32, #tpu.memory_space<vmem>> -> memref<1x128xi32, #tpu.memory_space<vmem>>
        %dma_start3A_33 = tpu.memref_squeeze %dma_start3A_32 : memref<1x128xi32, #tpu.memory_space<vmem>> -> memref<128xi32, #tpu.memory_space<vmem>>
        %dma_start3A_34 = arith.constant 0 : i32
        %dma_start3A_35 = arith.constant 0 : i32
        %dma_start3A_36 = tpu.memref_slice %arg2[%dma_start3A_34, %dma_start3A_35] : memref<10000x128xf32, #tpu.memory_space<hbm>> -> memref<10000x128xf32, #tpu.memory_space<hbm>>
        tpu.enqueue_indirect_dma source(%dma_start3A_36 : memref<10000x128xf32, #tpu.memory_space<hbm>>) target(%arg8 : memref<128x128xf32, #tpu.memory_space<vmem>>) offsets(%dma_start3A_33 : memref<128xi32, #tpu.memory_space<vmem>>) semaphore(%run_scoped3A : memref<!tpu.dma_semaphore, #tpu.memory_space<semaphore_mem>>)
        %dma_wait3A = arith.constant 0 : i32
        %dma_wait3A_37 = tpu.memref_slice %arg6[%add3A_31, %dma_wait3A] : memref<80x128xi32, #tpu.memory_space<vmem>> -> memref<1x128xi32, #tpu.memory_space<vmem>>
        %dma_wait3A_38 = tpu.memref_squeeze %dma_wait3A_37 : memref<1x128xi32, #tpu.memory_space<vmem>> -> memref<128xi32, #tpu.memory_space<vmem>>
        %dma_wait3A_39 = arith.constant 0 : i32
        %dma_wait3A_40 = arith.constant 0 : i32
        %dma_wait3A_41 = tpu.memref_slice %arg2[%dma_wait3A_39, %dma_wait3A_40] : memref<10000x128xf32, #tpu.memory_space<hbm>> -> memref<10000x128xf32, #tpu.memory_space<hbm>>
        tpu.wait_indirect_dma semaphore(%run_scoped3A : memref<!tpu.dma_semaphore, #tpu.memory_space<semaphore_mem>>) src(%dma_wait3A_41 : memref<10000x128xf32, #tpu.memory_space<hbm>>) dst(%arg8 : memref<128x128xf32, #tpu.memory_space<vmem>>)
        tpu.yield
      }) : () -> ()
      "tpu.region"() ({
        %run_scoped3A = tpu.sem_alloc : memref<!tpu.dma_semaphore, #tpu.memory_space<semaphore_mem>>
        %dma_start3A = arith.constant 0 : i32
        %dma_start3A_32 = tpu.memref_slice %arg7[%add3A_31, %dma_start3A] : memref<80x128xi32, #tpu.memory_space<vmem>> -> memref<1x128xi32, #tpu.memory_space<vmem>>
        %dma_start3A_33 = tpu.memref_squeeze %dma_start3A_32 : memref<1x128xi32, #tpu.memory_space<vmem>> -> memref<128xi32, #tpu.memory_space<vmem>>
        %dma_start3A_34 = arith.constant 0 : i32
        %dma_start3A_35 = arith.constant 0 : i32
        %dma_start3A_36 = tpu.memref_slice %arg9[%dma_start3A_34, %dma_start3A_35] : memref<10240x128xf32, #tpu.memory_space<vmem_shared>> -> memref<10240x128xf32, #tpu.memory_space<vmem_shared>>
        tpu.enqueue_indirect_dma source(%arg8 : memref<128x128xf32, #tpu.memory_space<vmem>>) target(%dma_start3A_36 : memref<10240x128xf32, #tpu.memory_space<vmem_shared>>) offsets(%dma_start3A_33 : memref<128xi32, #tpu.memory_space<vmem>>) semaphore(%run_scoped3A : memref<!tpu.dma_semaphore, #tpu.memory_space<semaphore_mem>>) {add = true}
        %dma_wait3A = arith.constant 0 : i32
        %dma_wait3A_37 = tpu.memref_slice %arg7[%add3A_31, %dma_wait3A] : memref<80x128xi32, #tpu.memory_space<vmem>> -> memref<1x128xi32, #tpu.memory_space<vmem>>
        %dma_wait3A_38 = tpu.memref_squeeze %dma_wait3A_37 : memref<1x128xi32, #tpu.memory_space<vmem>> -> memref<128xi32, #tpu.memory_space<vmem>>
        %dma_wait3A_39 = arith.constant 0 : i32
        %dma_wait3A_40 = arith.constant 0 : i32
        %dma_wait3A_41 = tpu.memref_slice %arg9[%dma_wait3A_39, %dma_wait3A_40] : memref<10240x128xf32, #tpu.memory_space<vmem_shared>> -> memref<10240x128xf32, #tpu.memory_space<vmem_shared>>
        tpu.wait_indirect_dma semaphore(%run_scoped3A : memref<!tpu.dma_semaphore, #tpu.memory_space<semaphore_mem>>) src(%arg8 : memref<128x128xf32, #tpu.memory_space<vmem>>) dst(%dma_wait3A_41 : memref<10240x128xf32, #tpu.memory_space<vmem_shared>>)
        tpu.yield
      }) : () -> ()
    }
    %scan3A_18 = arith.constant 80 : i32
    %barrier3A_19 = arith.constant 0 : index
    tpu.barrier barrier_id(%barrier3A_19)
    %mul3A_20 = arith.constant 640 : i32
    %mul3A_21 = arith.muli %arg1, %mul3A_20 : i32
    %mul3A_22 = arith.constant 10240 : i32
    %mul3A_23 = arith.muli %arg0, %mul3A_22 : i32
    %mul3A_24 = arith.constant 640 : i32
    %mul3A_25 = arith.muli %arg1, %mul3A_24 : i32
    %add3A_26 = arith.addi %mul3A_23, %mul3A_25 : i32
    "tpu.region"() ({
      %run_scoped3A = tpu.sem_alloc : memref<!tpu.dma_semaphore, #tpu.memory_space<semaphore_mem>>
      %dma_start3A = arith.constant 0 : i32
      %dma_start3A_27 = tpu.memref_slice %arg5[%add3A_26, %dma_start3A] : memref<20480x128xf32, #tpu.memory_space<hbm>> -> memref<640x128xf32, #tpu.memory_space<hbm>>
      %dma_start3A_28 = arith.constant 0 : i32
      %dma_start3A_29 = tpu.memref_slice %arg9[%mul3A_21, %dma_start3A_28] : memref<10240x128xf32, #tpu.memory_space<vmem_shared>> -> memref<640x128xf32, #tpu.memory_space<vmem_shared>>
      tpu.enqueue_dma source(%dma_start3A_29 : memref<640x128xf32, #tpu.memory_space<vmem_shared>>) target(%dma_start3A_27 : memref<640x128xf32, #tpu.memory_space<hbm>>) target_semaphore(%run_scoped3A : memref<!tpu.dma_semaphore, #tpu.memory_space<semaphore_mem>>)
      %dma_wait3A = arith.constant 0 : i32
      %dma_wait3A_30 = tpu.memref_slice %arg5[%add3A_26, %dma_wait3A] : memref<20480x128xf32, #tpu.memory_space<hbm>> -> memref<640x128xf32, #tpu.memory_space<hbm>>
      %dma_wait3A_31 = arith.constant 0 : i32
      %dma_wait3A_32 = tpu.memref_slice %arg9[%mul3A_21, %dma_wait3A_31] : memref<10240x128xf32, #tpu.memory_space<vmem_shared>> -> memref<640x128xf32, #tpu.memory_space<vmem_shared>>
      tpu.wait_dma2 semaphore(%run_scoped3A : memref<!tpu.dma_semaphore, #tpu.memory_space<semaphore_mem>>) src(%dma_wait3A_32 : memref<640x128xf32, #tpu.memory_space<vmem_shared>>) dst(%dma_wait3A_30 : memref<640x128xf32, #tpu.memory_space<hbm>>)
      tpu.yield
    }) : () -> ()
    return
  }
}

#map = affine_map<(d0, d1) -> (0, 0)>
module attributes {stable_mosaic.version = 14 : i64} {
  func.func @_sc_agg(%arg0: i32, %arg1: i32, %arg2: memref<10000x128xf32, #tpu.memory_space<hbm>>, %arg3: memref<2560x128xi32, #tpu.memory_space<hbm>>, %arg4: memref<2560x128xi32, #tpu.memory_space<hbm>>, %arg5: memref<20480x128xf32, #tpu.memory_space<hbm>>, %arg6: memref<80x128xi32, #tpu.memory_space<vmem>>, %arg7: memref<80x128xi32, #tpu.memory_space<vmem>>, %arg8: memref<128x128xf32, #tpu.memory_space<vmem>>, %arg9: memref<10240x128xf32, #tpu.memory_space<vmem_shared>>) attributes {dimension_semantics = [#tpu.dimension_semantics<core_parallel>, #tpu.dimension_semantics<subcore_parallel>], iteration_bounds = array<i64: 2, 16>, scalar_prefetch = 0 : i64, scratch_operands = 4 : i64, tpu.core_type = #tpu.core_type<sc_vector_subcore>, window_params = [{transform_indices = #map}, {transform_indices = #map}, {transform_indices = #map}, {transform_indices = #map}]} {
    %mul3A = arith.constant 16 : i32
    %mul3A_0 = arith.muli %arg0, %mul3A : i32
    %add3A = arith.addi %mul3A_0, %arg1 : i32
    %scan3A = arith.constant 0 : i32
    %scan3A_1 = arith.constant 128 : i32
    %scan3A_2 = arith.addi %scan3A, %scan3A_1 : i32
    %scan3A_3 = arith.constant 1 : i32
    scf.for %scan3A_27 = %scan3A to %scan3A_2 step %scan3A_3  : i32 {
      %mul3A_28 = arith.constant 1 : i32
      %mul3A_29 = arith.muli %scan3A_27, %mul3A_28 : i32
      %add3A_30 = arith.constant 0 : i32
      %add3A_31 = arith.addi %add3A_30, %mul3A_29 : i32
      %scan3A_32 = arith.constant 0 : i32
      %scan3A_33 = arith.constant 8 : i32
      %scan3A_34 = arith.addi %scan3A_32, %scan3A_33 : i32
      %scan3A_35 = arith.constant 1 : i32
      scf.for %scan3A_37 = %scan3A_32 to %scan3A_34 step %scan3A_35  : i32 {
        %mul3A_38 = arith.constant 16 : i32
        %mul3A_39 = arith.muli %scan3A_37, %mul3A_38 : i32
        %add3A_40 = arith.constant 0 : i32
        %add3A_41 = arith.addi %add3A_40, %mul3A_39 : i32
        %broadcast_in_dim3A = arith.constant 0.000000e+00 : f32
        %broadcast_in_dim3A_42 = vector.broadcast %broadcast_in_dim3A : f32 to vector<16xf32>
        %swap3A = arith.index_cast %add3A_31 : i32 to index
        %swap3A_43 = arith.index_cast %add3A_41 : i32 to index
        %swap3A_44 = tpu.vector_load %arg8[%swap3A, %swap3A_43] {strides = array<i32>} : memref<128x128xf32, #tpu.memory_space<vmem>>, vector<1x16xf32>,
        %swap3A_45 = vector.shape_cast %swap3A_44 : vector<1x16xf32> to vector<16xf32>
        %swap3A_46 = vector.shape_cast %broadcast_in_dim3A_42 : vector<16xf32> to vector<1x16xf32>
        tpu.vector_store %arg8[%swap3A, %swap3A_43], %swap3A_46 {strides = array<i32>} : memref<128x128xf32, #tpu.memory_space<vmem>>, vector<1x16xf32>,
      }
      %scan3A_36 = arith.constant 8 : i32
    }
    %scan3A_4 = arith.constant 128 : i32
    %scan3A_5 = arith.constant 0 : i32
    %scan3A_6 = arith.constant 5 : i32
    %scan3A_7 = arith.addi %scan3A_5, %scan3A_6 : i32
    %scan3A_8 = arith.constant 1 : i32
    scf.for %scan3A_27 = %scan3A_5 to %scan3A_7 step %scan3A_8  : i32 {
      %mul3A_28 = arith.constant 1 : i32
      %mul3A_29 = arith.muli %scan3A_27, %mul3A_28 : i32
      %add3A_30 = arith.constant 0 : i32
      %add3A_31 = arith.addi %add3A_30, %mul3A_29 : i32
      %mul3A_32 = arith.constant 640 : i32
      %mul3A_33 = arith.muli %arg1, %mul3A_32 : i32
      %mul3A_34 = arith.constant 128 : i32
      %mul3A_35 = arith.muli %add3A_31, %mul3A_34 : i32
      %add3A_36 = arith.addi %mul3A_33, %mul3A_35 : i32
      "tpu.region"() ({
        %run_scoped3A = tpu.sem_alloc : memref<!tpu.dma_semaphore, #tpu.memory_space<semaphore_mem>>
        %dma_start3A = arith.constant 0 : i32
        %dma_start3A_37 = tpu.memref_slice %arg9[%add3A_36, %dma_start3A] : memref<10240x128xf32, #tpu.memory_space<vmem_shared>> -> memref<128x128xf32, #tpu.memory_space<vmem_shared>>
        %dma_start3A_38 = arith.constant 0 : i32
        %dma_start3A_39 = tpu.memref_slice %arg9[%add3A_36, %dma_start3A_38] : memref<10240x128xf32, #tpu.memory_space<vmem_shared>> -> memref<128x128xf32, #tpu.memory_space<vmem_shared>>
        tpu.enqueue_dma source(%arg8 : memref<128x128xf32, #tpu.memory_space<vmem>>) target(%dma_start3A_39 : memref<128x128xf32, #tpu.memory_space<vmem_shared>>) target_semaphore(%run_scoped3A : memref<!tpu.dma_semaphore, #tpu.memory_space<semaphore_mem>>)
        %dma_wait3A = arith.constant 0 : i32
        %dma_wait3A_40 = tpu.memref_slice %arg9[%add3A_36, %dma_wait3A] : memref<10240x128xf32, #tpu.memory_space<vmem_shared>> -> memref<128x128xf32, #tpu.memory_space<vmem_shared>>
        %dma_wait3A_41 = arith.constant 0 : i32
        %dma_wait3A_42 = tpu.memref_slice %arg9[%add3A_36, %dma_wait3A_41] : memref<10240x128xf32, #tpu.memory_space<vmem_shared>> -> memref<128x128xf32, #tpu.memory_space<vmem_shared>>
        tpu.wait_dma2 semaphore(%run_scoped3A : memref<!tpu.dma_semaphore, #tpu.memory_space<semaphore_mem>>) src(%arg8 : memref<128x128xf32, #tpu.memory_space<vmem>>) dst(%dma_wait3A_42 : memref<128x128xf32, #tpu.memory_space<vmem_shared>>)
        tpu.yield
      }) : () -> ()
    }
    %scan3A_9 = arith.constant 5 : i32
    %barrier3A = arith.constant 0 : index
    tpu.barrier barrier_id(%barrier3A)
    %mul3A_10 = arith.constant 80 : i32
    %mul3A_11 = arith.muli %add3A, %mul3A_10 : i32
    "tpu.region"() ({
      %run_scoped3A = tpu.sem_alloc : memref<!tpu.dma_semaphore, #tpu.memory_space<semaphore_mem>>
      %dma_start3A = arith.constant 0 : i32
      %dma_start3A_27 = tpu.memref_slice %arg3[%mul3A_11, %dma_start3A] : memref<2560x128xi32, #tpu.memory_space<hbm>> -> memref<80x128xi32, #tpu.memory_space<hbm>>
      %dma_start3A_28 = arith.constant 0 : i32
      %dma_start3A_29 = tpu.memref_slice %arg3[%mul3A_11, %dma_start3A_28] : memref<2560x128xi32, #tpu.memory_space<hbm>> -> memref<80x128xi32, #tpu.memory_space<hbm>>
      tpu.enqueue_dma source(%dma_start3A_29 : memref<80x128xi32, #tpu.memory_space<hbm>>) target(%arg6 : memref<80x128xi32, #tpu.memory_space<vmem>>) target_semaphore(%run_scoped3A : memref<!tpu.dma_semaphore, #tpu.memory_space<semaphore_mem>>)
      %dma_wait3A = arith.constant 0 : i32
      %dma_wait3A_30 = tpu.memref_slice %arg3[%mul3A_11, %dma_wait3A] : memref<2560x128xi32, #tpu.memory_space<hbm>> -> memref<80x128xi32, #tpu.memory_space<hbm>>
      %dma_wait3A_31 = arith.constant 0 : i32
      %dma_wait3A_32 = tpu.memref_slice %arg3[%mul3A_11, %dma_wait3A_31] : memref<2560x128xi32, #tpu.memory_space<hbm>> -> memref<80x128xi32, #tpu.memory_space<hbm>>
      tpu.wait_dma2 semaphore(%run_scoped3A : memref<!tpu.dma_semaphore, #tpu.memory_space<semaphore_mem>>) src(%dma_wait3A_32 : memref<80x128xi32, #tpu.memory_space<hbm>>) dst(%arg6 : memref<80x128xi32, #tpu.memory_space<vmem>>)
      tpu.yield
    }) : () -> ()
    %mul3A_12 = arith.constant 80 : i32
    %mul3A_13 = arith.muli %add3A, %mul3A_12 : i32
    "tpu.region"() ({
      %run_scoped3A = tpu.sem_alloc : memref<!tpu.dma_semaphore, #tpu.memory_space<semaphore_mem>>
      %dma_start3A = arith.constant 0 : i32
      %dma_start3A_27 = tpu.memref_slice %arg4[%mul3A_13, %dma_start3A] : memref<2560x128xi32, #tpu.memory_space<hbm>> -> memref<80x128xi32, #tpu.memory_space<hbm>>
      %dma_start3A_28 = arith.constant 0 : i32
      %dma_start3A_29 = tpu.memref_slice %arg4[%mul3A_13, %dma_start3A_28] : memref<2560x128xi32, #tpu.memory_space<hbm>> -> memref<80x128xi32, #tpu.memory_space<hbm>>
      tpu.enqueue_dma source(%dma_start3A_29 : memref<80x128xi32, #tpu.memory_space<hbm>>) target(%arg7 : memref<80x128xi32, #tpu.memory_space<vmem>>) target_semaphore(%run_scoped3A : memref<!tpu.dma_semaphore, #tpu.memory_space<semaphore_mem>>)
      %dma_wait3A = arith.constant 0 : i32
      %dma_wait3A_30 = tpu.memref_slice %arg4[%mul3A_13, %dma_wait3A] : memref<2560x128xi32, #tpu.memory_space<hbm>> -> memref<80x128xi32, #tpu.memory_space<hbm>>
      %dma_wait3A_31 = arith.constant 0 : i32
      %dma_wait3A_32 = tpu.memref_slice %arg4[%mul3A_13, %dma_wait3A_31] : memref<2560x128xi32, #tpu.memory_space<hbm>> -> memref<80x128xi32, #tpu.memory_space<hbm>>
      tpu.wait_dma2 semaphore(%run_scoped3A : memref<!tpu.dma_semaphore, #tpu.memory_space<semaphore_mem>>) src(%dma_wait3A_32 : memref<80x128xi32, #tpu.memory_space<hbm>>) dst(%arg7 : memref<80x128xi32, #tpu.memory_space<vmem>>)
      tpu.yield
    }) : () -> ()
    %scan3A_14 = arith.constant 0 : i32
    %scan3A_15 = arith.constant 80 : i32
    %scan3A_16 = arith.addi %scan3A_14, %scan3A_15 : i32
    %scan3A_17 = arith.constant 1 : i32
    scf.for %scan3A_27 = %scan3A_14 to %scan3A_16 step %scan3A_17  : i32 {
      %mul3A_28 = arith.constant 1 : i32
      %mul3A_29 = arith.muli %scan3A_27, %mul3A_28 : i32
      %add3A_30 = arith.constant 0 : i32
      %add3A_31 = arith.addi %add3A_30, %mul3A_29 : i32
      "tpu.region"() ({
        %run_scoped3A = tpu.sem_alloc : memref<!tpu.dma_semaphore, #tpu.memory_space<semaphore_mem>>
        %dma_start3A = arith.constant 0 : i32
        %dma_start3A_32 = tpu.memref_slice %arg6[%add3A_31, %dma_start3A] : memref<80x128xi32, #tpu.memory_space<vmem>> -> memref<1x128xi32, #tpu.memory_space<vmem>>
        %dma_start3A_33 = tpu.memref_squeeze %dma_start3A_32 : memref<1x128xi32, #tpu.memory_space<vmem>> -> memref<128xi32, #tpu.memory_space<vmem>>
        %dma_start3A_34 = arith.constant 0 : i32
        %dma_start3A_35 = arith.constant 0 : i32
        %dma_start3A_36 = tpu.memref_slice %arg2[%dma_start3A_34, %dma_start3A_35] : memref<10000x128xf32, #tpu.memory_space<hbm>> -> memref<10000x128xf32, #tpu.memory_space<hbm>>
        tpu.enqueue_indirect_dma source(%dma_start3A_36 : memref<10000x128xf32, #tpu.memory_space<hbm>>) target(%arg8 : memref<128x128xf32, #tpu.memory_space<vmem>>) offsets(%dma_start3A_33 : memref<128xi32, #tpu.memory_space<vmem>>) semaphore(%run_scoped3A : memref<!tpu.dma_semaphore, #tpu.memory_space<semaphore_mem>>)
        %dma_wait3A = arith.constant 0 : i32
        %dma_wait3A_37 = tpu.memref_slice %arg6[%add3A_31, %dma_wait3A] : memref<80x128xi32, #tpu.memory_space<vmem>> -> memref<1x128xi32, #tpu.memory_space<vmem>>
        %dma_wait3A_38 = tpu.memref_squeeze %dma_wait3A_37 : memref<1x128xi32, #tpu.memory_space<vmem>> -> memref<128xi32, #tpu.memory_space<vmem>>
        %dma_wait3A_39 = arith.constant 0 : i32
        %dma_wait3A_40 = arith.constant 0 : i32
        %dma_wait3A_41 = tpu.memref_slice %arg2[%dma_wait3A_39, %dma_wait3A_40] : memref<10000x128xf32, #tpu.memory_space<hbm>> -> memref<10000x128xf32, #tpu.memory_space<hbm>>
        tpu.wait_indirect_dma semaphore(%run_scoped3A : memref<!tpu.dma_semaphore, #tpu.memory_space<semaphore_mem>>) src(%dma_wait3A_41 : memref<10000x128xf32, #tpu.memory_space<hbm>>) dst(%arg8 : memref<128x128xf32, #tpu.memory_space<vmem>>)
        tpu.yield
      }) : () -> ()
      "tpu.region"() ({
        %run_scoped3A = tpu.sem_alloc : memref<!tpu.dma_semaphore, #tpu.memory_space<semaphore_mem>>
        %dma_start3A = arith.constant 0 : i32
        %dma_start3A_32 = tpu.memref_slice %arg7[%add3A_31, %dma_start3A] : memref<80x128xi32, #tpu.memory_space<vmem>> -> memref<1x128xi32, #tpu.memory_space<vmem>>
        %dma_start3A_33 = tpu.memref_squeeze %dma_start3A_32 : memref<1x128xi32, #tpu.memory_space<vmem>> -> memref<128xi32, #tpu.memory_space<vmem>>
        %dma_start3A_34 = arith.constant 0 : i32
        %dma_start3A_35 = arith.constant 0 : i32
        %dma_start3A_36 = tpu.memref_slice %arg9[%dma_start3A_34, %dma_start3A_35] : memref<10240x128xf32, #tpu.memory_space<vmem_shared>> -> memref<10240x128xf32, #tpu.memory_space<vmem_shared>>
        tpu.enqueue_indirect_dma source(%arg8 : memref<128x128xf32, #tpu.memory_space<vmem>>) target(%dma_start3A_36 : memref<10240x128xf32, #tpu.memory_space<vmem_shared>>) offsets(%dma_start3A_33 : memref<128xi32, #tpu.memory_space<vmem>>) semaphore(%run_scoped3A : memref<!tpu.dma_semaphore, #tpu.memory_space<semaphore_mem>>) {add = true}
        %dma_wait3A = arith.constant 0 : i32
        %dma_wait3A_37 = tpu.memref_slice %arg7[%add3A_31, %dma_wait3A] : memref<80x128xi32, #tpu.memory_space<vmem>> -> memref<1x128xi32, #tpu.memory_space<vmem>>
        %dma_wait3A_38 = tpu.memref_squeeze %dma_wait3A_37 : memref<1x128xi32, #tpu.memory_space<vmem>> -> memref<128xi32, #tpu.memory_space<vmem>>
        %dma_wait3A_39 = arith.constant 0 : i32
        %dma_wait3A_40 = arith.constant 0 : i32
        %dma_wait3A_41 = tpu.memref_slice %arg9[%dma_wait3A_39, %dma_wait3A_40] : memref<10240x128xf32, #tpu.memory_space<vmem_shared>> -> memref<10240x128xf32, #tpu.memory_space<vmem_shared>>
        tpu.wait_indirect_dma semaphore(%run_scoped3A : memref<!tpu.dma_semaphore, #tpu.memory_space<semaphore_mem>>) src(%arg8 : memref<128x128xf32, #tpu.memory_space<vmem>>) dst(%dma_wait3A_41 : memref<10240x128xf32, #tpu.memory_space<vmem_shared>>)
        tpu.yield
      }) : () -> ()
    }
    %scan3A_18 = arith.constant 80 : i32
    %barrier3A_19 = arith.constant 0 : index
    tpu.barrier barrier_id(%barrier3A_19)
    %mul3A_20 = arith.constant 640 : i32
    %mul3A_21 = arith.muli %arg1, %mul3A_20 : i32
    %mul3A_22 = arith.constant 10240 : i32
    %mul3A_23 = arith.muli %arg0, %mul3A_22 : i32
    %mul3A_24 = arith.constant 640 : i32
    %mul3A_25 = arith.muli %arg1, %mul3A_24 : i32
    %add3A_26 = arith.addi %mul3A_23, %mul3A_25 : i32
    "tpu.region"() ({
      %run_scoped3A = tpu.sem_alloc : memref<!tpu.dma_semaphore, #tpu.memory_space<semaphore_mem>>
      %dma_start3A = arith.constant 0 : i32
      %dma_start3A_27 = tpu.memref_slice %arg5[%add3A_26, %dma_start3A] : memref<20480x128xf32, #tpu.memory_space<hbm>> -> memref<640x128xf32, #tpu.memory_space<hbm>>
      %dma_start3A_28 = arith.constant 0 : i32
      %dma_start3A_29 = tpu.memref_slice %arg9[%mul3A_21, %dma_start3A_28] : memref<10240x128xf32, #tpu.memory_space<vmem_shared>> -> memref<640x128xf32, #tpu.memory_space<vmem_shared>>
      tpu.enqueue_dma source(%dma_start3A_29 : memref<640x128xf32, #tpu.memory_space<vmem_shared>>) target(%dma_start3A_27 : memref<640x128xf32, #tpu.memory_space<hbm>>) target_semaphore(%run_scoped3A : memref<!tpu.dma_semaphore, #tpu.memory_space<semaphore_mem>>)
      %dma_wait3A = arith.constant 0 : i32
      %dma_wait3A_30 = tpu.memref_slice %arg5[%add3A_26, %dma_wait3A] : memref<20480x128xf32, #tpu.memory_space<hbm>> -> memref<640x128xf32, #tpu.memory_space<hbm>>
      %dma_wait3A_31 = arith.constant 0 : i32
      %dma_wait3A_32 = tpu.memref_slice %arg9[%mul3A_21, %dma_wait3A_31] : memref<10240x128xf32, #tpu.memory_space<vmem_shared>> -> memref<640x128xf32, #tpu.memory_space<vmem_shared>>
      tpu.wait_dma2 semaphore(%run_scoped3A : memref<!tpu.dma_semaphore, #tpu.memory_space<semaphore_mem>>) src(%dma_wait3A_32 : memref<640x128xf32, #tpu.memory_space<vmem_shared>>) dst(%dma_wait3A_30 : memref<640x128xf32, #tpu.memory_space<hbm>>)
      tpu.yield
    }) : () -> ()
    return
  }
}

#map = affine_map<(d0, d1) -> (0, 0)>
module attributes {stable_mosaic.version = 14 : i64} {
  func.func @_sc_agg(%arg0: i32, %arg1: i32, %arg2: memref<10000x128xf32, #tpu.memory_space<hbm>>, %arg3: memref<2560x128xi32, #tpu.memory_space<hbm>>, %arg4: memref<2560x128xi32, #tpu.memory_space<hbm>>, %arg5: memref<20480x128xf32, #tpu.memory_space<hbm>>, %arg6: memref<80x128xi32, #tpu.memory_space<vmem>>, %arg7: memref<80x128xi32, #tpu.memory_space<vmem>>, %arg8: memref<128x128xf32, #tpu.memory_space<vmem>>, %arg9: memref<10240x128xf32, #tpu.memory_space<vmem_shared>>) attributes {dimension_semantics = [#tpu.dimension_semantics<core_parallel>, #tpu.dimension_semantics<subcore_parallel>], iteration_bounds = array<i64: 2, 16>, scalar_prefetch = 0 : i64, scratch_operands = 4 : i64, tpu.core_type = #tpu.core_type<sc_vector_subcore>, window_params = [{transform_indices = #map}, {transform_indices = #map}, {transform_indices = #map}, {transform_indices = #map}]} {
    %mul3A = arith.constant 16 : i32
    %mul3A_0 = arith.muli %arg0, %mul3A : i32
    %add3A = arith.addi %mul3A_0, %arg1 : i32
    %scan3A = arith.constant 0 : i32
    %scan3A_1 = arith.constant 128 : i32
    %scan3A_2 = arith.addi %scan3A, %scan3A_1 : i32
    %scan3A_3 = arith.constant 1 : i32
    scf.for %scan3A_27 = %scan3A to %scan3A_2 step %scan3A_3  : i32 {
      %mul3A_28 = arith.constant 1 : i32
      %mul3A_29 = arith.muli %scan3A_27, %mul3A_28 : i32
      %add3A_30 = arith.constant 0 : i32
      %add3A_31 = arith.addi %add3A_30, %mul3A_29 : i32
      %scan3A_32 = arith.constant 0 : i32
      %scan3A_33 = arith.constant 8 : i32
      %scan3A_34 = arith.addi %scan3A_32, %scan3A_33 : i32
      %scan3A_35 = arith.constant 1 : i32
      scf.for %scan3A_37 = %scan3A_32 to %scan3A_34 step %scan3A_35  : i32 {
        %mul3A_38 = arith.constant 16 : i32
        %mul3A_39 = arith.muli %scan3A_37, %mul3A_38 : i32
        %add3A_40 = arith.constant 0 : i32
        %add3A_41 = arith.addi %add3A_40, %mul3A_39 : i32
        %broadcast_in_dim3A = arith.constant 0.000000e+00 : f32
        %broadcast_in_dim3A_42 = vector.broadcast %broadcast_in_dim3A : f32 to vector<16xf32>
        %swap3A = arith.index_cast %add3A_31 : i32 to index
        %swap3A_43 = arith.index_cast %add3A_41 : i32 to index
        %swap3A_44 = tpu.vector_load %arg8[%swap3A, %swap3A_43] {strides = array<i32>} : memref<128x128xf32, #tpu.memory_space<vmem>>, vector<1x16xf32>,
        %swap3A_45 = vector.shape_cast %swap3A_44 : vector<1x16xf32> to vector<16xf32>
        %swap3A_46 = vector.shape_cast %broadcast_in_dim3A_42 : vector<16xf32> to vector<1x16xf32>
        tpu.vector_store %arg8[%swap3A, %swap3A_43], %swap3A_46 {strides = array<i32>} : memref<128x128xf32, #tpu.memory_space<vmem>>, vector<1x16xf32>,
      }
      %scan3A_36 = arith.constant 8 : i32
    }
    %scan3A_4 = arith.constant 128 : i32
    %scan3A_5 = arith.constant 0 : i32
    %scan3A_6 = arith.constant 5 : i32
    %scan3A_7 = arith.addi %scan3A_5, %scan3A_6 : i32
    %scan3A_8 = arith.constant 1 : i32
    scf.for %scan3A_27 = %scan3A_5 to %scan3A_7 step %scan3A_8  : i32 {
      %mul3A_28 = arith.constant 1 : i32
      %mul3A_29 = arith.muli %scan3A_27, %mul3A_28 : i32
      %add3A_30 = arith.constant 0 : i32
      %add3A_31 = arith.addi %add3A_30, %mul3A_29 : i32
      %mul3A_32 = arith.constant 640 : i32
      %mul3A_33 = arith.muli %arg1, %mul3A_32 : i32
      %mul3A_34 = arith.constant 128 : i32
      %mul3A_35 = arith.muli %add3A_31, %mul3A_34 : i32
      %add3A_36 = arith.addi %mul3A_33, %mul3A_35 : i32
      "tpu.region"() ({
        %run_scoped3A = tpu.sem_alloc : memref<!tpu.dma_semaphore, #tpu.memory_space<semaphore_mem>>
        %dma_start3A = arith.constant 0 : i32
        %dma_start3A_37 = tpu.memref_slice %arg9[%add3A_36, %dma_start3A] : memref<10240x128xf32, #tpu.memory_space<vmem_shared>> -> memref<128x128xf32, #tpu.memory_space<vmem_shared>>
        %dma_start3A_38 = arith.constant 0 : i32
        %dma_start3A_39 = tpu.memref_slice %arg9[%add3A_36, %dma_start3A_38] : memref<10240x128xf32, #tpu.memory_space<vmem_shared>> -> memref<128x128xf32, #tpu.memory_space<vmem_shared>>
        tpu.enqueue_dma source(%arg8 : memref<128x128xf32, #tpu.memory_space<vmem>>) target(%dma_start3A_39 : memref<128x128xf32, #tpu.memory_space<vmem_shared>>) target_semaphore(%run_scoped3A : memref<!tpu.dma_semaphore, #tpu.memory_space<semaphore_mem>>)
        %dma_wait3A = arith.constant 0 : i32
        %dma_wait3A_40 = tpu.memref_slice %arg9[%add3A_36, %dma_wait3A] : memref<10240x128xf32, #tpu.memory_space<vmem_shared>> -> memref<128x128xf32, #tpu.memory_space<vmem_shared>>
        %dma_wait3A_41 = arith.constant 0 : i32
        %dma_wait3A_42 = tpu.memref_slice %arg9[%add3A_36, %dma_wait3A_41] : memref<10240x128xf32, #tpu.memory_space<vmem_shared>> -> memref<128x128xf32, #tpu.memory_space<vmem_shared>>
        tpu.wait_dma2 semaphore(%run_scoped3A : memref<!tpu.dma_semaphore, #tpu.memory_space<semaphore_mem>>) src(%arg8 : memref<128x128xf32, #tpu.memory_space<vmem>>) dst(%dma_wait3A_42 : memref<128x128xf32, #tpu.memory_space<vmem_shared>>)
        tpu.yield
      }) : () -> ()
    }
    %scan3A_9 = arith.constant 5 : i32
    %barrier3A = arith.constant 0 : index
    tpu.barrier barrier_id(%barrier3A)
    %mul3A_10 = arith.constant 80 : i32
    %mul3A_11 = arith.muli %add3A, %mul3A_10 : i32
    "tpu.region"() ({
      %run_scoped3A = tpu.sem_alloc : memref<!tpu.dma_semaphore, #tpu.memory_space<semaphore_mem>>
      %dma_start3A = arith.constant 0 : i32
      %dma_start3A_27 = tpu.memref_slice %arg3[%mul3A_11, %dma_start3A] : memref<2560x128xi32, #tpu.memory_space<hbm>> -> memref<80x128xi32, #tpu.memory_space<hbm>>
      %dma_start3A_28 = arith.constant 0 : i32
      %dma_start3A_29 = tpu.memref_slice %arg3[%mul3A_11, %dma_start3A_28] : memref<2560x128xi32, #tpu.memory_space<hbm>> -> memref<80x128xi32, #tpu.memory_space<hbm>>
      tpu.enqueue_dma source(%dma_start3A_29 : memref<80x128xi32, #tpu.memory_space<hbm>>) target(%arg6 : memref<80x128xi32, #tpu.memory_space<vmem>>) target_semaphore(%run_scoped3A : memref<!tpu.dma_semaphore, #tpu.memory_space<semaphore_mem>>)
      %dma_wait3A = arith.constant 0 : i32
      %dma_wait3A_30 = tpu.memref_slice %arg3[%mul3A_11, %dma_wait3A] : memref<2560x128xi32, #tpu.memory_space<hbm>> -> memref<80x128xi32, #tpu.memory_space<hbm>>
      %dma_wait3A_31 = arith.constant 0 : i32
      %dma_wait3A_32 = tpu.memref_slice %arg3[%mul3A_11, %dma_wait3A_31] : memref<2560x128xi32, #tpu.memory_space<hbm>> -> memref<80x128xi32, #tpu.memory_space<hbm>>
      tpu.wait_dma2 semaphore(%run_scoped3A : memref<!tpu.dma_semaphore, #tpu.memory_space<semaphore_mem>>) src(%dma_wait3A_32 : memref<80x128xi32, #tpu.memory_space<hbm>>) dst(%arg6 : memref<80x128xi32, #tpu.memory_space<vmem>>)
      tpu.yield
    }) : () -> ()
    %mul3A_12 = arith.constant 80 : i32
    %mul3A_13 = arith.muli %add3A, %mul3A_12 : i32
    "tpu.region"() ({
      %run_scoped3A = tpu.sem_alloc : memref<!tpu.dma_semaphore, #tpu.memory_space<semaphore_mem>>
      %dma_start3A = arith.constant 0 : i32
      %dma_start3A_27 = tpu.memref_slice %arg4[%mul3A_13, %dma_start3A] : memref<2560x128xi32, #tpu.memory_space<hbm>> -> memref<80x128xi32, #tpu.memory_space<hbm>>
      %dma_start3A_28 = arith.constant 0 : i32
      %dma_start3A_29 = tpu.memref_slice %arg4[%mul3A_13, %dma_start3A_28] : memref<2560x128xi32, #tpu.memory_space<hbm>> -> memref<80x128xi32, #tpu.memory_space<hbm>>
      tpu.enqueue_dma source(%dma_start3A_29 : memref<80x128xi32, #tpu.memory_space<hbm>>) target(%arg7 : memref<80x128xi32, #tpu.memory_space<vmem>>) target_semaphore(%run_scoped3A : memref<!tpu.dma_semaphore, #tpu.memory_space<semaphore_mem>>)
      %dma_wait3A = arith.constant 0 : i32
      %dma_wait3A_30 = tpu.memref_slice %arg4[%mul3A_13, %dma_wait3A] : memref<2560x128xi32, #tpu.memory_space<hbm>> -> memref<80x128xi32, #tpu.memory_space<hbm>>
      %dma_wait3A_31 = arith.constant 0 : i32
      %dma_wait3A_32 = tpu.memref_slice %arg4[%mul3A_13, %dma_wait3A_31] : memref<2560x128xi32, #tpu.memory_space<hbm>> -> memref<80x128xi32, #tpu.memory_space<hbm>>
      tpu.wait_dma2 semaphore(%run_scoped3A : memref<!tpu.dma_semaphore, #tpu.memory_space<semaphore_mem>>) src(%dma_wait3A_32 : memref<80x128xi32, #tpu.memory_space<hbm>>) dst(%arg7 : memref<80x128xi32, #tpu.memory_space<vmem>>)
      tpu.yield
    }) : () -> ()
    %scan3A_14 = arith.constant 0 : i32
    %scan3A_15 = arith.constant 80 : i32
    %scan3A_16 = arith.addi %scan3A_14, %scan3A_15 : i32
    %scan3A_17 = arith.constant 1 : i32
    scf.for %scan3A_27 = %scan3A_14 to %scan3A_16 step %scan3A_17  : i32 {
      %mul3A_28 = arith.constant 1 : i32
      %mul3A_29 = arith.muli %scan3A_27, %mul3A_28 : i32
      %add3A_30 = arith.constant 0 : i32
      %add3A_31 = arith.addi %add3A_30, %mul3A_29 : i32
      "tpu.region"() ({
        %run_scoped3A = tpu.sem_alloc : memref<!tpu.dma_semaphore, #tpu.memory_space<semaphore_mem>>
        %dma_start3A = arith.constant 0 : i32
        %dma_start3A_32 = tpu.memref_slice %arg6[%add3A_31, %dma_start3A] : memref<80x128xi32, #tpu.memory_space<vmem>> -> memref<1x128xi32, #tpu.memory_space<vmem>>
        %dma_start3A_33 = tpu.memref_squeeze %dma_start3A_32 : memref<1x128xi32, #tpu.memory_space<vmem>> -> memref<128xi32, #tpu.memory_space<vmem>>
        %dma_start3A_34 = arith.constant 0 : i32
        %dma_start3A_35 = arith.constant 0 : i32
        %dma_start3A_36 = tpu.memref_slice %arg2[%dma_start3A_34, %dma_start3A_35] : memref<10000x128xf32, #tpu.memory_space<hbm>> -> memref<10000x128xf32, #tpu.memory_space<hbm>>
        tpu.enqueue_indirect_dma source(%dma_start3A_36 : memref<10000x128xf32, #tpu.memory_space<hbm>>) target(%arg8 : memref<128x128xf32, #tpu.memory_space<vmem>>) offsets(%dma_start3A_33 : memref<128xi32, #tpu.memory_space<vmem>>) semaphore(%run_scoped3A : memref<!tpu.dma_semaphore, #tpu.memory_space<semaphore_mem>>)
        %dma_wait3A = arith.constant 0 : i32
        %dma_wait3A_37 = tpu.memref_slice %arg6[%add3A_31, %dma_wait3A] : memref<80x128xi32, #tpu.memory_space<vmem>> -> memref<1x128xi32, #tpu.memory_space<vmem>>
        %dma_wait3A_38 = tpu.memref_squeeze %dma_wait3A_37 : memref<1x128xi32, #tpu.memory_space<vmem>> -> memref<128xi32, #tpu.memory_space<vmem>>
        %dma_wait3A_39 = arith.constant 0 : i32
        %dma_wait3A_40 = arith.constant 0 : i32
        %dma_wait3A_41 = tpu.memref_slice %arg2[%dma_wait3A_39, %dma_wait3A_40] : memref<10000x128xf32, #tpu.memory_space<hbm>> -> memref<10000x128xf32, #tpu.memory_space<hbm>>
        tpu.wait_indirect_dma semaphore(%run_scoped3A : memref<!tpu.dma_semaphore, #tpu.memory_space<semaphore_mem>>) src(%dma_wait3A_41 : memref<10000x128xf32, #tpu.memory_space<hbm>>) dst(%arg8 : memref<128x128xf32, #tpu.memory_space<vmem>>)
        tpu.yield
      }) : () -> ()
      "tpu.region"() ({
        %run_scoped3A = tpu.sem_alloc : memref<!tpu.dma_semaphore, #tpu.memory_space<semaphore_mem>>
        %dma_start3A = arith.constant 0 : i32
        %dma_start3A_32 = tpu.memref_slice %arg7[%add3A_31, %dma_start3A] : memref<80x128xi32, #tpu.memory_space<vmem>> -> memref<1x128xi32, #tpu.memory_space<vmem>>
        %dma_start3A_33 = tpu.memref_squeeze %dma_start3A_32 : memref<1x128xi32, #tpu.memory_space<vmem>> -> memref<128xi32, #tpu.memory_space<vmem>>
        %dma_start3A_34 = arith.constant 0 : i32
        %dma_start3A_35 = arith.constant 0 : i32
        %dma_start3A_36 = tpu.memref_slice %arg9[%dma_start3A_34, %dma_start3A_35] : memref<10240x128xf32, #tpu.memory_space<vmem_shared>> -> memref<10240x128xf32, #tpu.memory_space<vmem_shared>>
        tpu.enqueue_indirect_dma source(%arg8 : memref<128x128xf32, #tpu.memory_space<vmem>>) target(%dma_start3A_36 : memref<10240x128xf32, #tpu.memory_space<vmem_shared>>) offsets(%dma_start3A_33 : memref<128xi32, #tpu.memory_space<vmem>>) semaphore(%run_scoped3A : memref<!tpu.dma_semaphore, #tpu.memory_space<semaphore_mem>>) {add = true}
        %dma_wait3A = arith.constant 0 : i32
        %dma_wait3A_37 = tpu.memref_slice %arg7[%add3A_31, %dma_wait3A] : memref<80x128xi32, #tpu.memory_space<vmem>> -> memref<1x128xi32, #tpu.memory_space<vmem>>
        %dma_wait3A_38 = tpu.memref_squeeze %dma_wait3A_37 : memref<1x128xi32, #tpu.memory_space<vmem>> -> memref<128xi32, #tpu.memory_space<vmem>>
        %dma_wait3A_39 = arith.constant 0 : i32
        %dma_wait3A_40 = arith.constant 0 : i32
        %dma_wait3A_41 = tpu.memref_slice %arg9[%dma_wait3A_39, %dma_wait3A_40] : memref<10240x128xf32, #tpu.memory_space<vmem_shared>> -> memref<10240x128xf32, #tpu.memory_space<vmem_shared>>
        tpu.wait_indirect_dma semaphore(%run_scoped3A : memref<!tpu.dma_semaphore, #tpu.memory_space<semaphore_mem>>) src(%arg8 : memref<128x128xf32, #tpu.memory_space<vmem>>) dst(%dma_wait3A_41 : memref<10240x128xf32, #tpu.memory_space<vmem_shared>>)
        tpu.yield
      }) : () -> ()
    }
    %scan3A_18 = arith.constant 80 : i32
    %barrier3A_19 = arith.constant 0 : index
    tpu.barrier barrier_id(%barrier3A_19)
    %mul3A_20 = arith.constant 640 : i32
    %mul3A_21 = arith.muli %arg1, %mul3A_20 : i32
    %mul3A_22 = arith.constant 10240 : i32
    %mul3A_23 = arith.muli %arg0, %mul3A_22 : i32
    %mul3A_24 = arith.constant 640 : i32
    %mul3A_25 = arith.muli %arg1, %mul3A_24 : i32
    %add3A_26 = arith.addi %mul3A_23, %mul3A_25 : i32
    "tpu.region"() ({
      %run_scoped3A = tpu.sem_alloc : memref<!tpu.dma_semaphore, #tpu.memory_space<semaphore_mem>>
      %dma_start3A = arith.constant 0 : i32
      %dma_start3A_27 = tpu.memref_slice %arg5[%add3A_26, %dma_start3A] : memref<20480x128xf32, #tpu.memory_space<hbm>> -> memref<640x128xf32, #tpu.memory_space<hbm>>
      %dma_start3A_28 = arith.constant 0 : i32
      %dma_start3A_29 = tpu.memref_slice %arg9[%mul3A_21, %dma_start3A_28] : memref<10240x128xf32, #tpu.memory_space<vmem_shared>> -> memref<640x128xf32, #tpu.memory_space<vmem_shared>>
      tpu.enqueue_dma source(%dma_start3A_29 : memref<640x128xf32, #tpu.memory_space<vmem_shared>>) target(%dma_start3A_27 : memref<640x128xf32, #tpu.memory_space<hbm>>) target_semaphore(%run_scoped3A : memref<!tpu.dma_semaphore, #tpu.memory_space<semaphore_mem>>)
      %dma_wait3A = arith.constant 0 : i32
      %dma_wait3A_30 = tpu.memref_slice %arg5[%add3A_26, %dma_wait3A] : memref<20480x128xf32, #tpu.memory_space<hbm>> -> memref<640x128xf32, #tpu.memory_space<hbm>>
      %dma_wait3A_31 = arith.constant 0 : i32
      %dma_wait3A_32 = tpu.memref_slice %arg9[%mul3A_21, %dma_wait3A_31] : memref<10240x128xf32, #tpu.memory_space<vmem_shared>> -> memref<640x128xf32, #tpu.memory_space<vmem_shared>>
      tpu.wait_dma2 semaphore(%run_scoped3A : memref<!tpu.dma_semaphore, #tpu.memory_space<semaphore_mem>>) src(%dma_wait3A_32 : memref<640x128xf32, #tpu.memory_space<vmem_shared>>) dst(%dma_wait3A_30 : memref<640x128xf32, #tpu.memory_space<hbm>>)
      tpu.yield
    }) : () -> ()
    return
  }
}

module attributes {stable_mosaic.version = 14 : i64} {
  func.func @_tc_layer_body(%arg0: memref<10000x128xf32, #tpu.memory_space<vmem>>, %arg1: memref<20480x128xf32, #tpu.memory_space<vmem>>, %arg2: memref<1x1xf32, #tpu.memory_space<vmem>>, %arg3: memref<128x64xf32, #tpu.memory_space<vmem>>, %arg4: memref<1x64xf32, #tpu.memory_space<vmem>>, %arg5: memref<64x64xf32, #tpu.memory_space<vmem>>, %arg6: memref<1x64xf32, #tpu.memory_space<vmem>>, %arg7: memref<1x64xf32, #tpu.memory_space<vmem>>, %arg8: memref<1x64xf32, #tpu.memory_space<vmem>>, %arg9: memref<10000x128xf32, #tpu.memory_space<vmem>>) attributes {dimension_semantics = [], scalar_prefetch = 0 : i64, scratch_operands = 0 : i64, tpu.core_type = #tpu.core_type<tc>} {
    %get3A = arith.constant 0 : index
    %get3A_0 = arith.constant 0 : index
    %get3A_1 = vector.load %arg0[%get3A, %get3A_0] : memref<10000x128xf32, #tpu.memory_space<vmem>>, vector<10000x128xf32>
    %get3A_2 = arith.constant 0 : index
    %get3A_3 = arith.constant 0 : index
    %get3A_4 = vector.load %arg1[%get3A_2, %get3A_3] : memref<20480x128xf32, #tpu.memory_space<vmem>>, vector<20480x128xf32>
    %get3A_5 = arith.constant 0 : index
    %get3A_6 = arith.constant 0 : index
    %get3A_7 = vector.load %arg2[%get3A_5, %get3A_6] : memref<1x1xf32, #tpu.memory_space<vmem>>, vector<1x1xf32>
    %get3A_8 = arith.constant 0 : index
    %get3A_9 = arith.constant 0 : index
    %get3A_10 = vector.load %arg3[%get3A_8, %get3A_9] : memref<128x64xf32, #tpu.memory_space<vmem>>, vector<128x64xf32>
    %get3A_11 = arith.constant 0 : index
    %get3A_12 = arith.constant 0 : index
    %get3A_13 = vector.load %arg4[%get3A_11, %get3A_12] : memref<1x64xf32, #tpu.memory_space<vmem>>, vector<1x64xf32>
    %get3A_14 = arith.constant 0 : index
    %get3A_15 = arith.constant 0 : index
    %get3A_16 = vector.load %arg5[%get3A_14, %get3A_15] : memref<64x64xf32, #tpu.memory_space<vmem>>, vector<64x64xf32>
    %get3A_17 = arith.constant 0 : index
    %get3A_18 = arith.constant 0 : index
    %get3A_19 = vector.load %arg6[%get3A_17, %get3A_18] : memref<1x64xf32, #tpu.memory_space<vmem>>, vector<1x64xf32>
    %get3A_20 = arith.constant 0 : index
    %get3A_21 = arith.constant 0 : index
    %get3A_22 = vector.load %arg7[%get3A_20, %get3A_21] : memref<1x64xf32, #tpu.memory_space<vmem>>, vector<1x64xf32>
    %get3A_23 = arith.constant 0 : index
    %get3A_24 = arith.constant 0 : index
    %get3A_25 = vector.load %arg8[%get3A_23, %get3A_24] : memref<1x64xf32, #tpu.memory_space<vmem>>, vector<1x64xf32>
    %slice3A = vector.extract_strided_slice %get3A_4 {offsets = [0, 0], sizes = [10000, 128], strides = [1, 1]} : vector<20480x128xf32> to vector<10000x128xf32>
    %slice3A_26 = vector.extract_strided_slice %get3A_4 {offsets = [10240, 0], sizes = [10000, 128], strides = [1, 1]} : vector<20480x128xf32> to vector<10000x128xf32>
    %add3A = arith.addf %slice3A, %slice3A_26 : vector<10000x128xf32>
    %squeeze3A = vector.extract %get3A_7[0, 0] : f32 from vector<1x1xf32>
    %add3A_27 = arith.constant 1.000000e+00 : f32
    %add3A_28 = arith.addf %add3A_27, %squeeze3A : f32
    %mul3A = vector.broadcast %add3A_28 : f32 to vector<10000x128xf32>
    %mul3A_29 = arith.mulf %mul3A, %get3A_1 : vector<10000x128xf32>
    %add3A_30 = arith.addf %mul3A_29, %add3A : vector<10000x128xf32>
    %convert_element_type3A = arith.truncf %add3A_30 : vector<10000x128xf32> to vector<10000x128xbf16>
    %convert_element_type3A_31 = arith.truncf %get3A_10 : vector<128x64xf32> to vector<128x64xbf16>
    %dot_general3A = arith.constant dense<0.000000e+00> : vector<10000x64xf32>
    %dot_general3A_32 = tpu.matmul %convert_element_type3A, %convert_element_type3A_31, %dot_general3A {dimension_numbers = #tpu.dot_dimension_numbers<[1], [0], [0], [1], [0, 0, 1, 1], [], []>, transpose_lhs_hint = false} : vector<10000x128xbf16>, vector<128x64xbf16>, vector<10000x64xf32> -> vector<10000x64xf32>
    %add3A_33 = vector.broadcast %get3A_13 : vector<1x64xf32> to vector<10000x64xf32>
    %add3A_34 = arith.addf %dot_general3A_32, %add3A_33 : vector<10000x64xf32>
    %max3A = arith.constant 0.000000e+00 : f32
    %max3A_35 = vector.broadcast %max3A : f32 to vector<10000x64xf32>
    %max3A_36 = arith.maximumf %add3A_34, %max3A_35 : vector<10000x64xf32>
    %convert_element_type3A_37 = arith.truncf %max3A_36 : vector<10000x64xf32> to vector<10000x64xbf16>
    %convert_element_type3A_38 = arith.truncf %get3A_16 : vector<64x64xf32> to vector<64x64xbf16>
    %dot_general3A_39 = arith.constant dense<0.000000e+00> : vector<10000x64xf32>
    %dot_general3A_40 = tpu.matmul %convert_element_type3A_37, %convert_element_type3A_38, %dot_general3A_39 {dimension_numbers = #tpu.dot_dimension_numbers<[1], [0], [0], [1], [0, 0, 1, 1], [], []>, transpose_lhs_hint = false} : vector<10000x64xbf16>, vector<64x64xbf16>, vector<10000x64xf32> -> vector<10000x64xf32>
    %add3A_41 = vector.broadcast %get3A_19 : vector<1x64xf32> to vector<10000x64xf32>
    %add3A_42 = arith.addf %dot_general3A_40, %add3A_41 : vector<10000x64xf32>
    %max3A_43 = arith.constant 0.000000e+00 : f32
    %max3A_44 = vector.broadcast %max3A_43 : f32 to vector<10000x64xf32>
    %max3A_45 = arith.maximumf %add3A_42, %max3A_44 : vector<10000x64xf32>
    %reduce_sum3A = arith.constant dense<0.000000e+00> : vector<64xf32>
    %reduce_sum3A_46 = vector.multi_reduction <add>, %max3A_45, %reduce_sum3A [0] : vector<10000x64xf32> to vector<64xf32>
    %broadcast_in_dim3A = vector.shape_cast %reduce_sum3A_46 : vector<64xf32> to vector<1x64xf32>
    %div3A = arith.constant 1.000000e+04 : f32
    %div3A_47 = vector.broadcast %div3A : f32 to vector<1x64xf32>
    %div3A_48 = arith.divf %broadcast_in_dim3A, %div3A_47 : vector<1x64xf32>
    %mul3A_49 = arith.mulf %max3A_45, %max3A_45 : vector<10000x64xf32>
    %reduce_sum3A_50 = arith.constant dense<0.000000e+00> : vector<64xf32>
    %reduce_sum3A_51 = vector.multi_reduction <add>, %mul3A_49, %reduce_sum3A_50 [0] : vector<10000x64xf32> to vector<64xf32>
    %broadcast_in_dim3A_52 = vector.shape_cast %reduce_sum3A_51 : vector<64xf32> to vector<1x64xf32>
    %div3A_53 = arith.constant 1.000000e+04 : f32
    %div3A_54 = vector.broadcast %div3A_53 : f32 to vector<1x64xf32>
    %div3A_55 = arith.divf %broadcast_in_dim3A_52, %div3A_54 : vector<1x64xf32>
    %mul3A_56 = arith.mulf %div3A_48, %div3A_48 : vector<1x64xf32>
    %sub3A = arith.subf %div3A_55, %mul3A_56 : vector<1x64xf32>
    %sub3A_57 = vector.broadcast %div3A_48 : vector<1x64xf32> to vector<10000x64xf32>
    %sub3A_58 = arith.subf %max3A_45, %sub3A_57 : vector<10000x64xf32>
    %add3A_59 = arith.constant 9.99999974E-6 : f32
    %add3A_60 = vector.broadcast %add3A_59 : f32 to vector<1x64xf32>
    %add3A_61 = arith.addf %sub3A, %add3A_60 : vector<1x64xf32>
    %rsqrt3A = math.rsqrt %add3A_61 : vector<1x64xf32>
    %mul3A_62 = vector.broadcast %rsqrt3A : vector<1x64xf32> to vector<10000x64xf32>
    %mul3A_63 = arith.mulf %sub3A_58, %mul3A_62 : vector<10000x64xf32>
    %mul3A_64 = vector.broadcast %get3A_22 : vector<1x64xf32> to vector<10000x64xf32>
    %mul3A_65 = arith.mulf %mul3A_63, %mul3A_64 : vector<10000x64xf32>
    %add3A_66 = vector.broadcast %get3A_25 : vector<1x64xf32> to vector<10000x64xf32>
    %add3A_67 = arith.addf %mul3A_65, %add3A_66 : vector<10000x64xf32>
    %broadcast_in_dim3A_68 = arith.constant 0.000000e+00 : f32
    %broadcast_in_dim3A_69 = vector.broadcast %broadcast_in_dim3A_68 : f32 to vector<10000x64xf32>
    %concatenate3A = tpu.concatenate %add3A_67, %broadcast_in_dim3A_69 in 1 : vector<10000x64xf32>, vector<10000x64xf32> -> vector<10000x128xf32>
    %swap3A = arith.constant 0 : index
    %swap3A_70 = arith.constant 0 : index
    %swap3A_71 = vector.load %arg9[%swap3A, %swap3A_70] : memref<10000x128xf32, #tpu.memory_space<vmem>>, vector<10000x128xf32>
    tpu.vector_store %arg9[%swap3A, %swap3A_70], %concatenate3A {strides = array<i32>} : memref<10000x128xf32, #tpu.memory_space<vmem>>, vector<10000x128xf32>,
    return
  }
}

module attributes {stable_mosaic.version = 14 : i64} {
  func.func @_tc_layer_body(%arg0: memref<10000x128xf32, #tpu.memory_space<vmem>>, %arg1: memref<20480x128xf32, #tpu.memory_space<vmem>>, %arg2: memref<1x1xf32, #tpu.memory_space<vmem>>, %arg3: memref<64x64xf32, #tpu.memory_space<vmem>>, %arg4: memref<1x64xf32, #tpu.memory_space<vmem>>, %arg5: memref<64x64xf32, #tpu.memory_space<vmem>>, %arg6: memref<1x64xf32, #tpu.memory_space<vmem>>, %arg7: memref<1x64xf32, #tpu.memory_space<vmem>>, %arg8: memref<1x64xf32, #tpu.memory_space<vmem>>, %arg9: memref<10000x128xf32, #tpu.memory_space<vmem>>) attributes {dimension_semantics = [], scalar_prefetch = 0 : i64, scratch_operands = 0 : i64, tpu.core_type = #tpu.core_type<tc>} {
    %get3A = arith.constant 0 : index
    %get3A_0 = arith.constant 0 : index
    %get3A_1 = vector.load %arg0[%get3A, %get3A_0] : memref<10000x128xf32, #tpu.memory_space<vmem>>, vector<10000x128xf32>
    %get3A_2 = arith.constant 0 : index
    %get3A_3 = arith.constant 0 : index
    %get3A_4 = vector.load %arg1[%get3A_2, %get3A_3] : memref<20480x128xf32, #tpu.memory_space<vmem>>, vector<20480x128xf32>
    %get3A_5 = arith.constant 0 : index
    %get3A_6 = arith.constant 0 : index
    %get3A_7 = vector.load %arg2[%get3A_5, %get3A_6] : memref<1x1xf32, #tpu.memory_space<vmem>>, vector<1x1xf32>
    %get3A_8 = arith.constant 0 : index
    %get3A_9 = arith.constant 0 : index
    %get3A_10 = vector.load %arg3[%get3A_8, %get3A_9] : memref<64x64xf32, #tpu.memory_space<vmem>>, vector<64x64xf32>
    %get3A_11 = arith.constant 0 : index
    %get3A_12 = arith.constant 0 : index
    %get3A_13 = vector.load %arg4[%get3A_11, %get3A_12] : memref<1x64xf32, #tpu.memory_space<vmem>>, vector<1x64xf32>
    %get3A_14 = arith.constant 0 : index
    %get3A_15 = arith.constant 0 : index
    %get3A_16 = vector.load %arg5[%get3A_14, %get3A_15] : memref<64x64xf32, #tpu.memory_space<vmem>>, vector<64x64xf32>
    %get3A_17 = arith.constant 0 : index
    %get3A_18 = arith.constant 0 : index
    %get3A_19 = vector.load %arg6[%get3A_17, %get3A_18] : memref<1x64xf32, #tpu.memory_space<vmem>>, vector<1x64xf32>
    %get3A_20 = arith.constant 0 : index
    %get3A_21 = arith.constant 0 : index
    %get3A_22 = vector.load %arg7[%get3A_20, %get3A_21] : memref<1x64xf32, #tpu.memory_space<vmem>>, vector<1x64xf32>
    %get3A_23 = arith.constant 0 : index
    %get3A_24 = arith.constant 0 : index
    %get3A_25 = vector.load %arg8[%get3A_23, %get3A_24] : memref<1x64xf32, #tpu.memory_space<vmem>>, vector<1x64xf32>
    %slice3A = vector.extract_strided_slice %get3A_4 {offsets = [0, 0], sizes = [10000, 64], strides = [1, 1]} : vector<20480x128xf32> to vector<10000x64xf32>
    %slice3A_26 = vector.extract_strided_slice %get3A_4 {offsets = [10240, 0], sizes = [10000, 64], strides = [1, 1]} : vector<20480x128xf32> to vector<10000x64xf32>
    %add3A = arith.addf %slice3A, %slice3A_26 : vector<10000x64xf32>
    %squeeze3A = vector.extract %get3A_7[0, 0] : f32 from vector<1x1xf32>
    %add3A_27 = arith.constant 1.000000e+00 : f32
    %add3A_28 = arith.addf %add3A_27, %squeeze3A : f32
    %slice3A_29 = vector.extract_strided_slice %get3A_1 {offsets = [0, 0], sizes = [10000, 64], strides = [1, 1]} : vector<10000x128xf32> to vector<10000x64xf32>
    %mul3A = vector.broadcast %add3A_28 : f32 to vector<10000x64xf32>
    %mul3A_30 = arith.mulf %mul3A, %slice3A_29 : vector<10000x64xf32>
    %add3A_31 = arith.addf %mul3A_30, %add3A : vector<10000x64xf32>
    %convert_element_type3A = arith.truncf %add3A_31 : vector<10000x64xf32> to vector<10000x64xbf16>
    %convert_element_type3A_32 = arith.truncf %get3A_10 : vector<64x64xf32> to vector<64x64xbf16>
    %dot_general3A = arith.constant dense<0.000000e+00> : vector<10000x64xf32>
    %dot_general3A_33 = tpu.matmul %convert_element_type3A, %convert_element_type3A_32, %dot_general3A {dimension_numbers = #tpu.dot_dimension_numbers<[1], [0], [0], [1], [0, 0, 1, 1], [], []>, transpose_lhs_hint = false} : vector<10000x64xbf16>, vector<64x64xbf16>, vector<10000x64xf32> -> vector<10000x64xf32>
    %add3A_34 = vector.broadcast %get3A_13 : vector<1x64xf32> to vector<10000x64xf32>
    %add3A_35 = arith.addf %dot_general3A_33, %add3A_34 : vector<10000x64xf32>
    %max3A = arith.constant 0.000000e+00 : f32
    %max3A_36 = vector.broadcast %max3A : f32 to vector<10000x64xf32>
    %max3A_37 = arith.maximumf %add3A_35, %max3A_36 : vector<10000x64xf32>
    %convert_element_type3A_38 = arith.truncf %max3A_37 : vector<10000x64xf32> to vector<10000x64xbf16>
    %convert_element_type3A_39 = arith.truncf %get3A_16 : vector<64x64xf32> to vector<64x64xbf16>
    %dot_general3A_40 = arith.constant dense<0.000000e+00> : vector<10000x64xf32>
    %dot_general3A_41 = tpu.matmul %convert_element_type3A_38, %convert_element_type3A_39, %dot_general3A_40 {dimension_numbers = #tpu.dot_dimension_numbers<[1], [0], [0], [1], [0, 0, 1, 1], [], []>, transpose_lhs_hint = false} : vector<10000x64xbf16>, vector<64x64xbf16>, vector<10000x64xf32> -> vector<10000x64xf32>
    %add3A_42 = vector.broadcast %get3A_19 : vector<1x64xf32> to vector<10000x64xf32>
    %add3A_43 = arith.addf %dot_general3A_41, %add3A_42 : vector<10000x64xf32>
    %max3A_44 = arith.constant 0.000000e+00 : f32
    %max3A_45 = vector.broadcast %max3A_44 : f32 to vector<10000x64xf32>
    %max3A_46 = arith.maximumf %add3A_43, %max3A_45 : vector<10000x64xf32>
    %reduce_sum3A = arith.constant dense<0.000000e+00> : vector<64xf32>
    %reduce_sum3A_47 = vector.multi_reduction <add>, %max3A_46, %reduce_sum3A [0] : vector<10000x64xf32> to vector<64xf32>
    %broadcast_in_dim3A = vector.shape_cast %reduce_sum3A_47 : vector<64xf32> to vector<1x64xf32>
    %div3A = arith.constant 1.000000e+04 : f32
    %div3A_48 = vector.broadcast %div3A : f32 to vector<1x64xf32>
    %div3A_49 = arith.divf %broadcast_in_dim3A, %div3A_48 : vector<1x64xf32>
    %mul3A_50 = arith.mulf %max3A_46, %max3A_46 : vector<10000x64xf32>
    %reduce_sum3A_51 = arith.constant dense<0.000000e+00> : vector<64xf32>
    %reduce_sum3A_52 = vector.multi_reduction <add>, %mul3A_50, %reduce_sum3A_51 [0] : vector<10000x64xf32> to vector<64xf32>
    %broadcast_in_dim3A_53 = vector.shape_cast %reduce_sum3A_52 : vector<64xf32> to vector<1x64xf32>
    %div3A_54 = arith.constant 1.000000e+04 : f32
    %div3A_55 = vector.broadcast %div3A_54 : f32 to vector<1x64xf32>
    %div3A_56 = arith.divf %broadcast_in_dim3A_53, %div3A_55 : vector<1x64xf32>
    %mul3A_57 = arith.mulf %div3A_49, %div3A_49 : vector<1x64xf32>
    %sub3A = arith.subf %div3A_56, %mul3A_57 : vector<1x64xf32>
    %sub3A_58 = vector.broadcast %div3A_49 : vector<1x64xf32> to vector<10000x64xf32>
    %sub3A_59 = arith.subf %max3A_46, %sub3A_58 : vector<10000x64xf32>
    %add3A_60 = arith.constant 9.99999974E-6 : f32
    %add3A_61 = vector.broadcast %add3A_60 : f32 to vector<1x64xf32>
    %add3A_62 = arith.addf %sub3A, %add3A_61 : vector<1x64xf32>
    %rsqrt3A = math.rsqrt %add3A_62 : vector<1x64xf32>
    %mul3A_63 = vector.broadcast %rsqrt3A : vector<1x64xf32> to vector<10000x64xf32>
    %mul3A_64 = arith.mulf %sub3A_59, %mul3A_63 : vector<10000x64xf32>
    %mul3A_65 = vector.broadcast %get3A_22 : vector<1x64xf32> to vector<10000x64xf32>
    %mul3A_66 = arith.mulf %mul3A_64, %mul3A_65 : vector<10000x64xf32>
    %add3A_67 = vector.broadcast %get3A_25 : vector<1x64xf32> to vector<10000x64xf32>
    %add3A_68 = arith.addf %mul3A_66, %add3A_67 : vector<10000x64xf32>
    %broadcast_in_dim3A_69 = arith.constant 0.000000e+00 : f32
    %broadcast_in_dim3A_70 = vector.broadcast %broadcast_in_dim3A_69 : f32 to vector<10000x64xf32>
    %concatenate3A = tpu.concatenate %add3A_68, %broadcast_in_dim3A_70 in 1 : vector<10000x64xf32>, vector<10000x64xf32> -> vector<10000x128xf32>
    %swap3A = arith.constant 0 : index
    %swap3A_71 = arith.constant 0 : index
    %swap3A_72 = vector.load %arg9[%swap3A, %swap3A_71] : memref<10000x128xf32, #tpu.memory_space<vmem>>, vector<10000x128xf32>
    tpu.vector_store %arg9[%swap3A, %swap3A_71], %concatenate3A {strides = array<i32>} : memref<10000x128xf32, #tpu.memory_space<vmem>>, vector<10000x128xf32>,
    return
  }
}

module attributes {stable_mosaic.version = 14 : i64} {
  func.func @_tc_final_body(%arg0: memref<10000x128xf32, #tpu.memory_space<vmem>>, %arg1: memref<20480x128xf32, #tpu.memory_space<vmem>>, %arg2: memref<1x1xf32, #tpu.memory_space<vmem>>, %arg3: memref<64x64xf32, #tpu.memory_space<vmem>>, %arg4: memref<1x64xf32, #tpu.memory_space<vmem>>, %arg5: memref<64x64xf32, #tpu.memory_space<vmem>>, %arg6: memref<1x64xf32, #tpu.memory_space<vmem>>, %arg7: memref<1x64xf32, #tpu.memory_space<vmem>>, %arg8: memref<1x64xf32, #tpu.memory_space<vmem>>, %arg9: memref<10000x1xi32, #tpu.memory_space<vmem>>, %arg10: memref<64x32xf32, #tpu.memory_space<vmem>>, %arg11: memref<1x32xf32, #tpu.memory_space<vmem>>, %arg12: memref<1x32xf32, #tpu.memory_space<vmem>>, %arg13: memref<1x1xf32, #tpu.memory_space<vmem>>, %arg14: memref<200x1xf32, #tpu.memory_space<vmem>>) attributes {dimension_semantics = [], scalar_prefetch = 0 : i64, scratch_operands = 0 : i64, tpu.core_type = #tpu.core_type<tc>} {
    %get3A = arith.constant 0 : index
    %get3A_0 = arith.constant 0 : index
    %get3A_1 = vector.load %arg0[%get3A, %get3A_0] : memref<10000x128xf32, #tpu.memory_space<vmem>>, vector<10000x128xf32>
    %get3A_2 = arith.constant 0 : index
    %get3A_3 = arith.constant 0 : index
    %get3A_4 = vector.load %arg1[%get3A_2, %get3A_3] : memref<20480x128xf32, #tpu.memory_space<vmem>>, vector<20480x128xf32>
    %get3A_5 = arith.constant 0 : index
    %get3A_6 = arith.constant 0 : index
    %get3A_7 = vector.load %arg2[%get3A_5, %get3A_6] : memref<1x1xf32, #tpu.memory_space<vmem>>, vector<1x1xf32>
    %get3A_8 = arith.constant 0 : index
    %get3A_9 = arith.constant 0 : index
    %get3A_10 = vector.load %arg3[%get3A_8, %get3A_9] : memref<64x64xf32, #tpu.memory_space<vmem>>, vector<64x64xf32>
    %get3A_11 = arith.constant 0 : index
    %get3A_12 = arith.constant 0 : index
    %get3A_13 = vector.load %arg4[%get3A_11, %get3A_12] : memref<1x64xf32, #tpu.memory_space<vmem>>, vector<1x64xf32>
    %get3A_14 = arith.constant 0 : index
    %get3A_15 = arith.constant 0 : index
    %get3A_16 = vector.load %arg5[%get3A_14, %get3A_15] : memref<64x64xf32, #tpu.memory_space<vmem>>, vector<64x64xf32>
    %get3A_17 = arith.constant 0 : index
    %get3A_18 = arith.constant 0 : index
    %get3A_19 = vector.load %arg6[%get3A_17, %get3A_18] : memref<1x64xf32, #tpu.memory_space<vmem>>, vector<1x64xf32>
    %get3A_20 = arith.constant 0 : index
    %get3A_21 = arith.constant 0 : index
    %get3A_22 = vector.load %arg7[%get3A_20, %get3A_21] : memref<1x64xf32, #tpu.memory_space<vmem>>, vector<1x64xf32>
    %get3A_23 = arith.constant 0 : index
    %get3A_24 = arith.constant 0 : index
    %get3A_25 = vector.load %arg8[%get3A_23, %get3A_24] : memref<1x64xf32, #tpu.memory_space<vmem>>, vector<1x64xf32>
    %slice3A = vector.extract_strided_slice %get3A_4 {offsets = [0, 0], sizes = [10000, 64], strides = [1, 1]} : vector<20480x128xf32> to vector<10000x64xf32>
    %slice3A_26 = vector.extract_strided_slice %get3A_4 {offsets = [10240, 0], sizes = [10000, 64], strides = [1, 1]} : vector<20480x128xf32> to vector<10000x64xf32>
    %add3A = arith.addf %slice3A, %slice3A_26 : vector<10000x64xf32>
    %squeeze3A = vector.extract %get3A_7[0, 0] : f32 from vector<1x1xf32>
    %add3A_27 = arith.constant 1.000000e+00 : f32
    %add3A_28 = arith.addf %add3A_27, %squeeze3A : f32
    %slice3A_29 = vector.extract_strided_slice %get3A_1 {offsets = [0, 0], sizes = [10000, 64], strides = [1, 1]} : vector<10000x128xf32> to vector<10000x64xf32>
    %mul3A = vector.broadcast %add3A_28 : f32 to vector<10000x64xf32>
    %mul3A_30 = arith.mulf %mul3A, %slice3A_29 : vector<10000x64xf32>
    %add3A_31 = arith.addf %mul3A_30, %add3A : vector<10000x64xf32>
    %convert_element_type3A = arith.truncf %add3A_31 : vector<10000x64xf32> to vector<10000x64xbf16>
    %convert_element_type3A_32 = arith.truncf %get3A_10 : vector<64x64xf32> to vector<64x64xbf16>
    %dot_general3A = arith.constant dense<0.000000e+00> : vector<10000x64xf32>
    %dot_general3A_33 = tpu.matmul %convert_element_type3A, %convert_element_type3A_32, %dot_general3A {dimension_numbers = #tpu.dot_dimension_numbers<[1], [0], [0], [1], [0, 0, 1, 1], [], []>, transpose_lhs_hint = false} : vector<10000x64xbf16>, vector<64x64xbf16>, vector<10000x64xf32> -> vector<10000x64xf32>
    %add3A_34 = vector.broadcast %get3A_13 : vector<1x64xf32> to vector<10000x64xf32>
    %add3A_35 = arith.addf %dot_general3A_33, %add3A_34 : vector<10000x64xf32>
    %max3A = arith.constant 0.000000e+00 : f32
    %max3A_36 = vector.broadcast %max3A : f32 to vector<10000x64xf32>
    %max3A_37 = arith.maximumf %add3A_35, %max3A_36 : vector<10000x64xf32>
    %convert_element_type3A_38 = arith.truncf %max3A_37 : vector<10000x64xf32> to vector<10000x64xbf16>
    %convert_element_type3A_39 = arith.truncf %get3A_16 : vector<64x64xf32> to vector<64x64xbf16>
    %dot_general3A_40 = arith.constant dense<0.000000e+00> : vector<10000x64xf32>
    %dot_general3A_41 = tpu.matmul %convert_element_type3A_38, %convert_element_type3A_39, %dot_general3A_40 {dimension_numbers = #tpu.dot_dimension_numbers<[1], [0], [0], [1], [0, 0, 1, 1], [], []>, transpose_lhs_hint = false} : vector<10000x64xbf16>, vector<64x64xbf16>, vector<10000x64xf32> -> vector<10000x64xf32>
    %add3A_42 = vector.broadcast %get3A_19 : vector<1x64xf32> to vector<10000x64xf32>
    %add3A_43 = arith.addf %dot_general3A_41, %add3A_42 : vector<10000x64xf32>
    %max3A_44 = arith.constant 0.000000e+00 : f32
    %max3A_45 = vector.broadcast %max3A_44 : f32 to vector<10000x64xf32>
    %max3A_46 = arith.maximumf %add3A_43, %max3A_45 : vector<10000x64xf32>
    %reduce_sum3A = arith.constant dense<0.000000e+00> : vector<64xf32>
    %reduce_sum3A_47 = vector.multi_reduction <add>, %max3A_46, %reduce_sum3A [0] : vector<10000x64xf32> to vector<64xf32>
    %broadcast_in_dim3A = vector.shape_cast %reduce_sum3A_47 : vector<64xf32> to vector<1x64xf32>
    %div3A = arith.constant 1.000000e+04 : f32
    %div3A_48 = vector.broadcast %div3A : f32 to vector<1x64xf32>
    %div3A_49 = arith.divf %broadcast_in_dim3A, %div3A_48 : vector<1x64xf32>
    %mul3A_50 = arith.mulf %max3A_46, %max3A_46 : vector<10000x64xf32>
    %reduce_sum3A_51 = arith.constant dense<0.000000e+00> : vector<64xf32>
    %reduce_sum3A_52 = vector.multi_reduction <add>, %mul3A_50, %reduce_sum3A_51 [0] : vector<10000x64xf32> to vector<64xf32>
    %broadcast_in_dim3A_53 = vector.shape_cast %reduce_sum3A_52 : vector<64xf32> to vector<1x64xf32>
    %div3A_54 = arith.constant 1.000000e+04 : f32
    %div3A_55 = vector.broadcast %div3A_54 : f32 to vector<1x64xf32>
    %div3A_56 = arith.divf %broadcast_in_dim3A_53, %div3A_55 : vector<1x64xf32>
    %mul3A_57 = arith.mulf %div3A_49, %div3A_49 : vector<1x64xf32>
    %sub3A = arith.subf %div3A_56, %mul3A_57 : vector<1x64xf32>
    %sub3A_58 = vector.broadcast %div3A_49 : vector<1x64xf32> to vector<10000x64xf32>
    %sub3A_59 = arith.subf %max3A_46, %sub3A_58 : vector<10000x64xf32>
    %add3A_60 = arith.constant 9.99999974E-6 : f32
    %add3A_61 = vector.broadcast %add3A_60 : f32 to vector<1x64xf32>
    %add3A_62 = arith.addf %sub3A, %add3A_61 : vector<1x64xf32>
    %rsqrt3A = math.rsqrt %add3A_62 : vector<1x64xf32>
    %mul3A_63 = vector.broadcast %rsqrt3A : vector<1x64xf32> to vector<10000x64xf32>
    %mul3A_64 = arith.mulf %sub3A_59, %mul3A_63 : vector<10000x64xf32>
    %mul3A_65 = vector.broadcast %get3A_22 : vector<1x64xf32> to vector<10000x64xf32>
    %mul3A_66 = arith.mulf %mul3A_64, %mul3A_65 : vector<10000x64xf32>
    %add3A_67 = vector.broadcast %get3A_25 : vector<1x64xf32> to vector<10000x64xf32>
    %add3A_68 = arith.addf %mul3A_66, %add3A_67 : vector<10000x64xf32>
    %get3A_69 = arith.constant 0 : index
    %get3A_70 = arith.constant 0 : index
    %get3A_71 = vector.load %arg9[%get3A_69, %get3A_70] : memref<10000x1xi32, #tpu.memory_space<vmem>>, vector<10000x1xi32>
    %iota3A = tpu.iota {dimensions = array<i32: 1>} : vector<10000x200xi32>
    %eq3A = vector.broadcast %get3A_71 : vector<10000x1xi32> to vector<10000x200xi32>
    %eq3A_72 = arith.cmpi eq, %eq3A, %iota3A : vector<10000x200xi32>
    %convert_element_type3A_73 = arith.extui %eq3A_72 : vector<10000x200xi1> to vector<10000x200xi32>
    %convert_element_type3A_74 = arith.sitofp %convert_element_type3A_73 : vector<10000x200xi32> to vector<10000x200xf32>
    %dot_general3A_75 = arith.constant dense<0.000000e+00> : vector<200x64xf32>
    %dot_general3A_76 = tpu.matmul %convert_element_type3A_74, %add3A_68, %dot_general3A_75 {dimension_numbers = #tpu.dot_dimension_numbers<[0], [0], [1], [1], [0, 1, 1, 1], [], []>, precision = #tpu.contract_precision<fp32>, transpose_lhs_hint = false} : vector<10000x200xf32>, vector<10000x64xf32>, vector<200x64xf32> -> vector<200x64xf32>
    %get3A_77 = arith.constant 0 : index
    %get3A_78 = arith.constant 0 : index
    %get3A_79 = vector.load %arg10[%get3A_77, %get3A_78] : memref<64x32xf32, #tpu.memory_space<vmem>>, vector<64x32xf32>
    %convert_element_type3A_80 = arith.truncf %dot_general3A_76 : vector<200x64xf32> to vector<200x64xbf16>
    %convert_element_type3A_81 = arith.truncf %get3A_79 : vector<64x32xf32> to vector<64x32xbf16>
    %dot_general3A_82 = arith.constant dense<0.000000e+00> : vector<200x32xf32>
    %dot_general3A_83 = tpu.matmul %convert_element_type3A_80, %convert_element_type3A_81, %dot_general3A_82 {dimension_numbers = #tpu.dot_dimension_numbers<[1], [0], [0], [1], [0, 0, 1, 1], [], []>, transpose_lhs_hint = false} : vector<200x64xbf16>, vector<64x32xbf16>, vector<200x32xf32> -> vector<200x32xf32>
    %get3A_84 = arith.constant 0 : index
    %get3A_85 = arith.constant 0 : index
    %get3A_86 = vector.load %arg11[%get3A_84, %get3A_85] : memref<1x32xf32, #tpu.memory_space<vmem>>, vector<1x32xf32>
    %add3A_87 = vector.broadcast %get3A_86 : vector<1x32xf32> to vector<200x32xf32>
    %add3A_88 = arith.addf %dot_general3A_83, %add3A_87 : vector<200x32xf32>
    %max3A_89 = arith.constant 0.000000e+00 : f32
    %max3A_90 = vector.broadcast %max3A_89 : f32 to vector<200x32xf32>
    %max3A_91 = arith.maximumf %add3A_88, %max3A_90 : vector<200x32xf32>
    %convert_element_type3A_92 = arith.truncf %max3A_91 : vector<200x32xf32> to vector<200x32xbf16>
    %get3A_93 = arith.constant 0 : index
    %get3A_94 = arith.constant 0 : index
    %get3A_95 = vector.load %arg12[%get3A_93, %get3A_94] : memref<1x32xf32, #tpu.memory_space<vmem>>, vector<1x32xf32>
    %convert_element_type3A_96 = arith.truncf %get3A_95 : vector<1x32xf32> to vector<1x32xbf16>
    %mul3A_97 = vector.broadcast %convert_element_type3A_96 : vector<1x32xbf16> to vector<200x32xbf16>
    %mul3A_98 = arith.mulf %convert_element_type3A_92, %mul3A_97 : vector<200x32xbf16>
    %convert_element_type3A_99 = arith.extf %mul3A_98 : vector<200x32xbf16> to vector<200x32xf32>
    %reduce_sum3A_100 = arith.constant dense<0.000000e+00> : vector<200xf32>
    %reduce_sum3A_101 = vector.multi_reduction <add>, %convert_element_type3A_99, %reduce_sum3A_100 [1] : vector<200x32xf32> to vector<200xf32>
    %broadcast_in_dim3A_102 = vector.shape_cast %reduce_sum3A_101 : vector<200xf32> to vector<200x1xf32>
    %get3A_103 = arith.constant 0 : index
    %get3A_104 = arith.constant 0 : index
    %get3A_105 = vector.load %arg13[%get3A_103, %get3A_104] : memref<1x1xf32, #tpu.memory_space<vmem>>, vector<1x1xf32>
    %add3A_106 = vector.broadcast %get3A_105 : vector<1x1xf32> to vector<200x1xf32>
    %add3A_107 = arith.addf %broadcast_in_dim3A_102, %add3A_106 : vector<200x1xf32>
    %swap3A = arith.constant 0 : index
    %swap3A_108 = arith.constant 0 : index
    %swap3A_109 = vector.load %arg14[%swap3A, %swap3A_108] : memref<200x1xf32, #tpu.memory_space<vmem>>, vector<200x1xf32>
    tpu.vector_store %arg14[%swap3A, %swap3A_108], %add3A_107 {strides = array<i32>} : memref<200x1xf32, #tpu.memory_space<vmem>>, vector<200x1xf32>,
    return
  }
}

</mosaic_0001>

<sc_bundles>
// kernel: kernel.10.cloned.1.call-start
scs
__scs_entry_jumppad:
0x0: {  	(pc) =	sbr.rel $0x88, $3  }
0x1: {  	(tag) =	ssettag $0x0;
	lr =	simm.s32 $0x1  }
0x2: {  	[smem:$0x3F7E] =	sst lr;
	_ =	strace $0xD0000000  }
0x3: {  	_ = 	snop  }
0x4: {  	_ = 	snop  }
0x5: {  	_ = 	snop  }
0x6: {  	_ = 	snop  }
0x7: {  	_ = 	snop  }
__scs_overlays_trampoline_lowered:
0x8: {  	[smem:$0x3F8D] =	sst s0  }
0x9: {  	[smem:$0x3F8E] =	sst s1  }
0xa: {  	[smem:$0x3F8F] =	sst s2  }
0xb: {  	[smem:$0x3F90] =	sst s3  }
0xc: {  	[smem:$0x3F91] =	sst s4  }
0xd: {  	[smem:$0x3F92] =	sst s5  }
0xe: {  	[smem:$0x3F93] =	sst s6  }
0xf: {  	[smem:$0x3F94] =	sst s7  }
0x10: {  	[smem:$0x3F95] =	sst s8  }
0x11: {  	[smem:$0x3F96] =	sst s9;
	s0 =	simm.s32 @!p0 $0x0  }
0x12: {  	s1 =	sld [smem:$0x3F7C];
	s0 =	simm.s32 @p0 $0x1  }
0x13: {  	[smem:$0x3F97] =	sst s0;
	s0 =	simm.s32 @!p1 $0x0  }
0x14: {  	s2 =	sld [smem:$0x3F7B];
	s0 =	simm.s32 @p1 $0x1  }
0x15: {  	[smem:$0x3F98] =	sst s0;
	s0 =	simm.s32 @!p2 $0x0  }
0x16: {  	s3 =	sld [smem:$0x3FDB];
	s0 =	simm.s32 @p2 $0x1  }
0x17: {  	s4 =	simm.s32 $0x1BF5;
	[smem:$0x3F9A] =	sst s0  }
0x18: {  	s0 =	sld [smem:$0x3F7D];
	_ =	swait.ge [sflag:s4], $0x0  }
0x19: {  	s7 =	sld [smem:$0x3F7E]  }
0x1a: {  	s8 =	sadd.s32 $0xFFFFE003, lr  }
0x1b: {  	s9 =	sadd.s32 $0xFFFFFEF7, lr;
	s5 =	simm.s32 $0xFFFFFFFF;
	p2 =	slt.u32 s8, $0xFFFFF086  }
0x1c: {  	p1 =	slt.u32 s9, $0xF7A;
	s5 =	simm.s32 @!p2 $0x0  }
0x1d: {  	s5 =	simm.s32 @p1 $0x1;
	p0 =	seq.s32 s7, s2  }
0x1e: {  	s7 =	smul.u32 @!p0 $0xF7A, s2;
	p2 =	seq.s32 @!p0 s5, $0x0  }
0x1f: {  	s9 =	smul.u32 $0xF7A, s1;
	s8 =	simm.s32 @!p0 $0x1BF5;
	p2 =	por !p2, p0  }
0x20: {  	[sflag:s8] =	ssyncset.s32 @!p0 $0xFFFFF086;
	s6 =	sadd.s32 @!p0 s3, s7;
	s7 =	simm.s32 @!p0 $0x108  }
0x21: {  	s3 =	sadd.s32 s3, s9;
	s6 =	sadd.s32 @!p0 $0x88, s6;
	s7 =	simm.s32 @p2 $0x1082  }
0x22: {  	[simem:s7], [sflag:s8] =	dma.local @!p0 [hbm:s6], $0xF7A  }
0x23: {  	s9 =	sor.u32 $0xD0000000, s2;
	s6 =	simm.s32 $0x108;
	_ =	swait.ge @!p0 [sflag:s8], $0x0  }
0x24: {  	s3 =	sadd.s32 $0x88, s3;
	s6 =	simm.s32 @!p1 $0x1082;
	[sflag:s4] =	ssyncset.s32 $0xFFFFF086  }
0x25: {  	[simem:s6], [sflag:s4] =	dma.local [hbm:s3], $0xF7A  }
0x26: {  	[smem:$0x3F7E] =	sst s1;
	(tag) =	ssettag s2;
	_ =	strace s9  }
0x27: {  	s1 =	sld [smem:$0x3F8E]  }
0x28: {  	s2 =	sld [smem:$0x3F8F]  }
0x29: {  	s4 =	sld [smem:$0x3F91]  }
0x2a: {  	p0 =	seq.s32 s5, $0x0;
	s5 =	sld [smem:$0x3F92]  }
0x2b: {  	s6 =	sld [smem:$0x3F93]  }
0x2c: {  	s7 =	sld [smem:$0x3F94]  }
0x2d: {  	s3 =	simm.s32 $0x108;
	s8 =	sld [smem:$0x3F95]  }
0x2e: {  	s3 =	simm.s32 @!p0 $0x1082;
	s9 =	sld [smem:$0x3F96]  }
0x2f: {  	lr =	sadd.s32 s0, s3;
	s0 =	sld [smem:$0x3F8D]  }
0x30: {  	s3 =	sld [smem:$0x3F90]  }
0x31: {  	[smem:$0x3F99] =	sst s10  }
0x32: {  	s10 =	sld [smem:$0x3F97];
	_ =	sdelay $0x3  }
0x33: {  	p0 =	seq.s32 s10, $0x1;
	s10 =	sld [smem:$0x3F99];
	_ =	sdelay $0x3  }
0x34: {  	[smem:$0x3F99] =	sst s10  }
0x35: {  	s10 =	sld [smem:$0x3F98];
	_ =	sdelay $0x3  }
0x36: {  	p1 =	seq.s32 s10, $0x1;
	s10 =	sld [smem:$0x3F99];
	_ =	sdelay $0x3  }
0x37: {  	[smem:$0x3F99] =	sst s10  }
0x38: {  	s10 =	sld [smem:$0x3F9A]  }
0x39: {  	_ = 	snop;
	(pc) =	sbr.ind lr, $3  }
0x3a: {  	_ = 	snop  }
0x3b: {  	_ = 	snop  }
0x3c: {  	p2 =	seq.s32 s10, $0x1;
	s10 =	sld [smem:$0x3F99]  }
0x3d: {  	_ =	shalt  }
0x3e: {  	_ =	shalt  }
0x3f: {  	_ =	shalt  }
0x40: {  	_ =	shalt  }
0x41: {  	_ =	shalt  }
0x42: {  	_ =	shalt  }
0x43: {  	_ =	shalt  }
0x44: {  	_ =	shalt  }
0x45: {  	_ =	shalt  }
0x46: {  	_ =	shalt  }
0x47: {  	_ =	shalt  }
0x48: {  	_ =	shalt  }
0x49: {  	_ =	shalt  }
0x4a: {  	_ =	shalt  }
0x4b: {  	_ =	shalt  }
0x4c: {  	_ =	shalt  }
0x4d: {  	_ =	shalt  }
0x4e: {  	_ =	shalt  }
0x4f: {  	_ =	shalt  }
0x50: {  	_ =	shalt  }
0x51: {  	_ =	shalt  }
0x52: {  	_ =	shalt  }
0x53: {  	_ =	shalt  }
0x54: {  	_ =	shalt  }
0x55: {  	_ =	shalt  }
0x56: {  	_ =	shalt  }
0x57: {  	_ =	shalt  }
0x58: {  	_ =	shalt  }
0x59: {  	_ =	shalt  }
0x5a: {  	_ =	shalt  }
0x5b: {  	_ =	shalt  }
0x5c: {  	_ =	shalt  }
0x5d: {  	_ =	shalt  }
0x5e: {  	_ =	shalt  }
0x5f: {  	_ =	shalt  }
0x60: {  	_ =	shalt  }
0x61: {  	_ =	shalt  }
0x62: {  	_ =	shalt  }
0x63: {  	_ =	shalt  }
0x64: {  	_ =	shalt  }
0x65: {  	_ =	shalt  }
0x66: {  	_ =	shalt  }
0x67: {  	_ =	shalt  }
0x68: {  	_ =	shalt  }
0x69: {  	_ =	shalt  }
0x6a: {  	_ =	shalt  }
0x6b: {  	_ =	shalt  }
0x6c: {  	_ =	shalt  }
0x6d: {  	_ =	shalt  }
0x6e: {  	_ =	shalt  }
0x6f: {  	_ =	shalt  }
0x70: {  	_ =	shalt  }
0x71: {  	_ =	shalt  }
0x72: {  	_ =	shalt  }
0x73: {  	_ =	shalt  }
0x74: {  	_ =	shalt  }
0x75: {  	_ =	shalt  }
0x76: {  	_ =	shalt  }
0x77: {  	_ =	shalt  }
0x78: {  	_ =	shalt  }
0x79: {  	_ =	shalt  }
0x7a: {  	_ =	shalt  }
0x7b: {  	_ =	shalt  }
0x7c: {  	_ =	shalt  }
0x7d: {  	_ =	shalt  }
0x7e: {  	_ =	shalt  }
0x7f: {  	_ =	shalt  }
0x80: {  	_ =	shalt  }
0x81: {  	_ =	shalt  }
0x82: {  	_ =	shalt  }
0x83: {  	_ =	shalt  }
0x84: {  	_ =	shalt  }
0x85: {  	_ =	shalt  }
0x86: {  	_ =	shalt  }
0x87: {  	_ =	shalt  }
.Lfunc_end0:
.L_simem_size_0:
called_computation_lowered:
.L_overlay_start_0:
0x88: {  	s2 =	sld [smem:$0x3FD9]  }
0x89: {  	s3 =	sld [smem:$0x3FFE];
	_ =	sdelay $0x1  }
0x8a: {  	s1 =	srdreg.scid  }
0x8b: {  	s0 =	sand.u32 $0x1, s1  }
0x8c: {  	s17 =	sshll.u32 s0, $0xA;
	s2 =	sadd.s32 s3, s2  }
0x8d: {  	s2 =	sadd.s32 s2, s17  }
0x8e: {  	[smem:$0x3FA5] =	sst s2  }
0x8f: {  	_ = 	snop  }
0x90: {  	s2 =	sld [smem:$0x3FC9];
	(tm) =	ssettm $0x1  }
0x91: {  	s18 =	sld [smem:$0x3FFB];
	_ =	sdelay $0x3  }
0x92: {  	_ =	strace s18  }
0x93: {  	s3 =	sld [smem:$0x3FFC];
	_ =	sdelay $0x3  }
0x94: {  	_ =	strace s3  }
0x95: {  	s3 =	sld [smem:$0x3FFD];
	_ =	sdelay $0x3  }
0x96: {  	_ =	strace s3  }
0x97: {  	_ =	strace $0x8FFFFFFF  }
0x98: {  	s19 =	sld [smem:$0x3FDB];
	_ =	sdelay $0x1  }
0x99: {  	s4 =	simm.s32 $_scs_section_size  }
0x9a: {  	s5 =	simm.s32 $_size__tile_overlayer_lowered;
	s6 =	simm.s32 $_tile_overlayer_lowered  }
0x9b: {  	s22 =	simm.s32 $0x1BFF;
	s21 =	sshll.u32 s6, $0x1;
	s3 =	sadd.s32 s4, s19  }
0x9c: {  	s7 =	simm.s32 $0x0;
	s20 =	sshll.u32 s5, $0x1;
	s5 =	sadd.s32 s21, s3  }
0x9d: {  	[timem:s7], [sflag:s22] =	dma.local [hbm:s5], s20  }
0x9e: {  	_ =	swait.ge [sflag:s22], s20  }
0x9f: {  	s4 =	ssub.s32 $0x0, s20;
	[sflag:s22] =	ssyncset.done $0x0  }
0xa0: {  	[sflag:s22] =	ssyncadd.s32 s4;
	_ =	sdelay $0x1  }
0xa1: {  	s23 =	simm.s32 $0x1B8B  }
0xa2: {  	_ =	swait.ge [sflag:s23], $0x1  }
0xa3: {  	[sflag:s23] =	ssyncset.done $0x0  }
0xa4: {  	s25 =	simm.s32 $0x1B8E;
	s24 =	sld [smem:$0x3FFE];
	[sflag:s23] =	ssyncadd.s32 $0xFFFFFFFF  }
0xa5: {  	s26 =	simm.s32 $execute0_lowered;
	[smem:$0x3FD2] =	sst s25  }
0xa6: {  	s5 =	sshll.u32 s26, $0x1;
	_ =	strace $0x80000046;
	[dreg:$0x1] =	wrdreg $0xFFFFFFFF  }
0xa7: {  	s28 =	simm.s32 $_size_execute0_lowered;
	s3 =	sadd.s32 s3, s5;
	[dreg:$0x0] =	wrdreg $0x0  }
0xa8: {  	s5 =	sshll.u32 s28, $0x1;
	[dreg:$0x2] =	wrdreg s3  }
0xa9: {  	[dreg:$0x3] =	wrdreg s5  }
0xaa: {  	[dreg:$0x4] =	wrdreg $0xC0  }
0xab: {  	_ =	task [dreg:s7], $0x5FFFF  }
0xac: {  	[dreg:$0x1] =	wrdreg $0xFFFFFFFF  }
0xad: {  	[dreg:$0x0] =	wrdreg $0x60  }
0xae: {  	[dreg:$0x2] =	wrdreg s2  }
0xaf: {  	[dreg:$0x3] =	wrdreg s24  }
0xb0: {  	[dreg:$0x4] =	wrdreg $0x90000  }
0xb1: {  	[dreg:$0x5] =	wrdreg $0x9  }
0xb2: {  	_ =	task.clear_ibuf [dreg:s7], $0x6FFFF;
	_ =	strace $0x90000046  }
0xb3: {  	s29 =	simm.s32 $0x9;
	_ =	strace $0x80000048  }
0xb4: {  	_ =	swait.ge [sflag:s29], $0x1  }
0xb5: {  	[sflag:s29] =	ssyncadd.s32 $0xFFFFFFFF  }
0xb6: {  	_ =	strace $0x90000048  }
0xb7: {  	_ =	sfence  }
0xb8: {  	s30 =	sld [smem:$0x0];
	_ =	sdelay $0x2  }
0xb9: {  	s31 =	sshll.u32 s1, $0xD;
	s1 =	sshrl.u32 s1, $0x2  }
0xba: {  	s3 =	sand.u32 $0x4000, s31;
	s1 =	sadd.s32 s1, s30  }
0xbb: {  	s0 =	sor.u32 s3, s0;
	s1 =	sshll.u32 s1, $0x11  }
0xbc: {  	s0 =	sor.u32 s1, s0  }
0xbd: {  	s0 =	sadd.s32 $0x8F2B, s0  }
0xbe: {  	[sflag:s0] =	ssyncadd.remote.s32 $0x1  }
0xbf: {  	_ =	sfence.sel $0xFFFF  }
0xc0: {  	[dreg:$0x0] =	wrdreg $0xFFFFFFFF;
	(pc) =	sbr.abs _section_cstart, $3  }
0xc1: {  	[dreg:$0x1] =	wrdreg $0xFFFFFFFF  }
0xc2: {  	_ =	task.clear_ibuf [dreg:s7], $0x2FFFF;
	_ =	strace $0x9FFFFFFF  }
0xc3: {  	(tm) =	ssettm $0x7FFFFFFF  }
tec
execute0_lowered:
.L_overlay_start_1:
0x0: {  	(tag) =	ssettag $0x1  }
0x1: {  	s2 =	rddreg [dreg:$0x0]  }
0x2: {  	s0 =	srdreg.scid;
	s6 =	rddreg [dreg:$0x1]  }
0x3: {  	s3 =	rddreg [dreg:$0x2];
	s4 =	simm.s32 $0x0;
	s14 =	simm.s32 $0x5000  }
0x4: {  	s15 =	simm.s32 $0x1;
	s16 =	simm.s32 $0x2800;
	s5 =	sand.u32 $0x1, s0  }
0x5: {  	s17 =	simm.s32 $0x80;
	s0 =	stileid.u32;
	s8 =	smul.u32 $0x28000, s5  }
0x6: {  	[smem:$0x7FF] =	sst s4;
	s1 =	sshll.u32 s5, $0x4;
	s9 =	smul.u32 $0x2800, s0  }
0x7: {  	s10 =	smul.u32 $0x50000, s0;
	s5 =	ssub.s32 $0x2, s5;
	s18 =	sshll.u32 s0, $0x6  }
0x8: {  	s1 =	sor.u32 s0, s1;
	s31 =	sshrl.u32 s5, $0x1;
	s18 =	sor.u32 $0x1C01, s18  }
0x9: {  	s7 =	smul.u32 $0x500, s1;
	s1 =	rddreg [dreg:$0x3];
	_ =	strace $0x80000047  }
0xa: {  	s8 =	sadd.s32 s9, s8;
	s10 =	sshrl.u32 s10, $0x2;
	s9 =	ssub.s32 s5, s31  }
0xb: {  	s8 =	sadd.s32 s8, s6;
	s5 =	sadd.s32 s10, s3;
	s9 =	smax.u32 s9, $0x1  }
0xc: {  	s7 =	sadd.s32 s7, s6;
	s8 =	sadd.s32 $0x19E00, s8;
	s10 =	sadd.s32 $0x4000, s5  }
0xd: {  	s11 =	sadd.s32 $0x8000, s5;
	s12 =	sadd.s32 $0xC000, s5;
	s13 =	sadd.s32 $0x10000, s5  }
0xe: {  	v0 =	vimm.f32 $0.0e+00;
	s19 =	sshrl.u32 s5, $0x3;
	s6 =	sadd.s32 $0xFE00, s7;
	s7 =	sadd.s32 $0x5E00, s7  }
.LBB2_1:
0xf: {  	s20 =	simm.s32 $0x0;
	s21 =	simm.s32 $0x200  }
.LBB2_2:
0x10: {  	p0 =	sne.s32 s21, $0xFE00;
	[tilespmem:s20+$0x5070] =	vst v0  }
0x11: {  	[tilespmem:s20+$0x5000] =	vst v0  }
0x12: {  	[tilespmem:s20+$0x5010] =	vst v0  }
.Ltmp0:
0x13: {  	[tilespmem:s20+$0x5020] =	vst v0;
	(pc) =	sbr.rel @p0 .LBB2_2-.Ltmp0, $4  }
0x14: {  	[tilespmem:s20+$0x5030] =	vst v0  }
0x15: {  	[tilespmem:s20+$0x5040] =	vst v0  }
0x16: {  	[tilespmem:s20+$0x5050] =	vst v0  }
0x17: {  	[tilespmem:s20+$0x5060] =	vst v0;
	s20 =	sshra.s32 s21, $0x2;
	s21 =	sadd.s32 $0x200, s21  }
0x18: {  	[tilespmem:s20+$0x5070] =	vst v0  }
0x19: {  	[tilespmem:s20+$0x5000] =	vst v0  }
0x1a: {  	[tilespmem:s20+$0x5010] =	vst v0  }
0x1b: {  	[tilespmem:s20+$0x5020] =	vst v0  }
0x1c: {  	[tilespmem:s20+$0x5030] =	vst v0  }
0x1d: {  	[tilespmem:s20+$0x5040] =	vst v0  }
0x1e: {  	[tilespmem:s20+$0x5050] =	vst v0  }
0x1f: {  	[tilespmem:s20+$0x5060] =	vst v0  }
0x20: {  	[spmem:s5] =	stream.linear.scatter [tilespmem:s14], [sflag:$0x1], $0x4000, $0x38;
	[tilespmem:$0x1D000] =	vst v63  }
0x21: {  	_ =	swait.ge [sflag:s15], $0x4000  }
0x22: {  	[sflag:s15] =	ssyncset.done $0x0  }
0x23: {  	[sflag:s15] =	ssyncadd.s32 $0xFFFFC000  }
0x24: {  	[spmem:s10] =	stream.linear.scatter [tilespmem:s14], [sflag:$0x1], $0x4000, $0x38;
	[tilespmem:$0x1D000] =	vst v63  }
0x25: {  	_ =	swait.ge [sflag:s15], $0x4000  }
0x26: {  	[sflag:s15] =	ssyncset.done $0x0  }
0x27: {  	[sflag:s15] =	ssyncadd.s32 $0xFFFFC000  }
0x28: {  	[spmem:s11] =	stream.linear.scatter [tilespmem:s14], [sflag:$0x1], $0x4000, $0x38;
	[tilespmem:$0x1D000] =	vst v63  }
0x29: {  	_ =	swait.ge [sflag:s15], $0x4000  }
0x2a: {  	[sflag:s15] =	ssyncset.done $0x0  }
0x2b: {  	[sflag:s15] =	ssyncadd.s32 $0xFFFFC000  }
0x2c: {  	[spmem:s12] =	stream.linear.scatter [tilespmem:s14], [sflag:$0x1], $0x4000, $0x38;
	[tilespmem:$0x1D000] =	vst v63  }
0x2d: {  	_ =	swait.ge [sflag:s15], $0x4000  }
0x2e: {  	[sflag:s15] =	ssyncset.done $0x0  }
0x2f: {  	[sflag:s15] =	ssyncadd.s32 $0xFFFFC000  }
0x30: {  	[spmem:s13] =	stream.linear.scatter [tilespmem:s14], [sflag:$0x1], $0x4000, $0x38;
	[tilespmem:$0x1D000] =	vst v63  }
0x31: {  	_ =	swait.ge [sflag:s15], $0x4000  }
0x32: {  	[sflag:s15] =	ssyncset.done $0x0  }
0x33: {  	[sflag:s15] =	ssyncadd.s32 $0xFFFFC000  }
0x34: {  	s29 =	simm.s32 $0x0;
	[bflag:$0x0] =	sbarrier.arrive $0xFFFF  }
0x35: {  	[tilespmem:s29], [sflag:$0x1] =	stream.linear.gather [hbm4b:s6+s29], $0x2800, $0x38;
	[tilespmem:$0x1D000] =	vst v63  }
0x36: {  	_ =	swait.ge [sflag:s15], $0x2800  }
0x37: {  	[sflag:s15] =	ssyncset.done $0x0  }
0x38: {  	[sflag:s15] =	ssyncadd.s32 $0xFFFFD800  }
0x39: {  	[tilespmem:s16], [sflag:$0x1] =	stream.linear.gather [hbm4b:s7+s29], $0x2800, $0x38;
	[tilespmem:$0x1D000] =	vst v63  }
0x3a: {  	_ =	swait.ge [sflag:s15], $0x2800  }
0x3b: {  	[sflag:s15] =	ssyncset.done $0x0  }
0x3c: {  	s30 =	simm.s32 $0x0;
	[sflag:s15] =	ssyncadd.s32 $0xFFFFD800  }
0x3d: {  	[tilespmem:s14], [sflag:$0x1] =	stream.indirect.gather [hbm4b:s2+s17], $0x80, s30, s17, $0xb8;
	[tilespmem:$0x1D000] =	vst v63  }
0x3e: {  	_ =	swait.ge [sflag:s15], $0x4000  }
0x3f: {  	[sflag:s15] =	ssyncset.done $0x0  }
0x40: {  	s31 =	simm.s32 $0x2800;
	[sflag:s15] =	ssyncadd.s32 $0xFFFFC000  }
0x41: {  	[spmem:s3] =	stream.indirect.scatter.add.f32 [tilespmem:s14], [sflag:$0x1], $0x80, s31, s17, $0xb8;
	[tilespmem:$0x1D000] =	vst v63  }
0x42: {  	_ =	swait.ge [sflag:s15], $0x4000  }
0x43: {  	s20 =	simm.s32 $0x200;
	s21 =	simm.s32 $0x400;
	[sflag:s15] =	ssyncset.done $0x0  }
.LBB2_4:
0x44: {  	s22 =	sshra.s32 s20, $0x2  }
0x45: {  	[sflag:s15] =	ssyncadd.s32 $0xFFFFC000;
	s20 =	smov.u32 s21;
	s23 =	sadd.s32 $0x200, s21  }
0x46: {  	[tilespmem:s14], [sflag:$0x1] =	stream.indirect.gather [hbm4b:s2+s17], $0x80, s22, s17, $0xb8;
	[tilespmem:$0x1D000] =	vst v63  }
0x47: {  	p0 =	sne.s32 s21, $0x9E00;
	_ =	swait.ge [sflag:s15], $0x4000  }
.Ltmp1:
0x48: {  	[sflag:s15] =	ssyncset.done $0x0;
	(pc) =	sbr.rel @p0 .LBB2_4-.Ltmp1, $4  }
0x49: {  	s21 =	sadd.s32 $0x2800, s22;
	[sflag:s15] =	ssyncadd.s32 $0xFFFFC000  }
0x4a: {  	[spmem:s3] =	stream.indirect.scatter.add.f32 [tilespmem:s14], [sflag:$0x1], $0x80, s21, s17, $0xb8;
	[tilespmem:$0x1D000] =	vst v63  }
0x4b: {  	_ =	swait.ge [sflag:s15], $0x4000  }
0x4c: {  	s21 =	smov.u32 s23;
	[sflag:s15] =	ssyncset.done $0x0  }
0x4d: {  	s20 =	sshra.s32 s20, $0x2;
	[sflag:s15] =	ssyncadd.s32 $0xFFFFC000  }
0x4e: {  	[tilespmem:s14], [sflag:$0x1] =	stream.indirect.gather [hbm4b:s2+s17], $0x80, s20, s17, $0xb8;
	[tilespmem:$0x1D000] =	vst v63  }
0x4f: {  	_ =	swait.ge [sflag:s15], $0x4000  }
0x50: {  	[sflag:s15] =	ssyncset.done $0x0  }
0x51: {  	s20 =	sadd.s32 $0x2800, s20;
	[sflag:s15] =	ssyncadd.s32 $0xFFFFC000  }
0x52: {  	[spmem:s3] =	stream.indirect.scatter.add.f32 [tilespmem:s14], [sflag:$0x1], $0x80, s20, s17, $0xb8;
	[tilespmem:$0x1D000] =	vst v63  }
0x53: {  	_ =	swait.ge [sflag:s15], $0x4000  }
0x54: {  	s4 =	sadd.s32 $0x1, s4;
	[sflag:s15] =	ssyncset.done $0x0  }
0x55: {  	p0 =	sne.s32 s4, s9;
	[sflag:s15] =	ssyncadd.s32 $0xFFFFC000  }
.Ltmp2:
0x56: {  	[bflag:$0x0] =	sbarrier.arrive $0xFFFF;
	(pc) =	sbr.rel @p0 .LBB2_1-.Ltmp2, $4  }
0x57: {  	[hbm:s8], [sflag:s18] =	dma.local [spmem:s19], $0x2800  }
0x58: {  	_ =	swait.ge [sflag:s15], $0x2800  }
0x59: {  	[sflag:s15] =	ssyncset.done $0x0  }
0x5a: {  	[sflag:s15] =	ssyncadd.s32 $0xFFFFD800  }
0x5b: {  	_ =	sfence.sel $0x180000  }
0x5c: {  	[bflag:$0x0] =	sbarrier.arrive $0xFFFF  }
0x5d: {  	p0 =	sne.s32 s0, $0x0;
	_ =	strace $0x90000047  }
0x5e: {  	s0 =	sadd.s32 @!p0 $0x100000, s1;
	[bflag:$0x2] =	sbarrier.arrive $0xFFFF  }
0x5f: {  	[sflag:s0] =	ssyncadd.tile.s32 @!p0 $0x1;
	_ =	shalt  }
.Lfunc_end2:
_tile_overlayer_lowered:
.L_overlay_start_2:
0x60: {  	(tag) =	ssettag $0x2  }
0x61: {  	s0 =	rddreg [dreg:$0x0];
	s2 =	stileid.u32  }
0x62: {  	s1 =	rddreg [dreg:$0x1];
	p0 =	sne.s32 s2, $0x0  }
0x63: {  	s3 =	rddreg [dreg:$0x2];
	[bflag:$0x3] =	sbarrier.arrive $0xFFFF;
	s2 =	simm.s32 @!p0 $0x1C01  }
0x64: {  	[timem:s3], [sflag:s2] =	dma.local @!p0 [hbm:s0], s1  }
0x65: {  	s0 =	simm.s32 @!p0 $0x1  }
0x66: {  	_ =	swait.ge @!p0 [sflag:s0], s1  }
0x67: {  	s1 =	ssub.s32 @!p0 $0x0, s1;
	[sflag:s0] =	ssyncset.done @!p0 $0x0  }
0x68: {  	[sflag:s0] =	ssyncadd.s32 @!p0 s1  }
0x69: {  	[bflag:$0x3] =	sbarrier.arrive $0xFFFF  }
0x6a: {  	_ =	shalt  }

// kernel: kernel.13.cloned.1.call-start
scs
__scs_entry_jumppad:
0x0: {  	(pc) =	sbr.rel $0x88, $3  }
0x1: {  	(tag) =	ssettag $0x0;
	lr =	simm.s32 $0x1  }
0x2: {  	[smem:$0x3F7E] =	sst lr;
	_ =	strace $0xD0000000  }
0x3: {  	_ = 	snop  }
0x4: {  	_ = 	snop  }
0x5: {  	_ = 	snop  }
0x6: {  	_ = 	snop  }
0x7: {  	_ = 	snop  }
__scs_overlays_trampoline_lowered:
0x8: {  	[smem:$0x3F8D] =	sst s0  }
0x9: {  	[smem:$0x3F8E] =	sst s1  }
0xa: {  	[smem:$0x3F8F] =	sst s2  }
0xb: {  	[smem:$0x3F90] =	sst s3  }
0xc: {  	[smem:$0x3F91] =	sst s4  }
0xd: {  	[smem:$0x3F92] =	sst s5  }
0xe: {  	[smem:$0x3F93] =	sst s6  }
0xf: {  	[smem:$0x3F94] =	sst s7  }
0x10: {  	[smem:$0x3F95] =	sst s8  }
0x11: {  	[smem:$0x3F96] =	sst s9;
	s0 =	simm.s32 @!p0 $0x0  }
0x12: {  	s1 =	sld [smem:$0x3F7C];
	s0 =	simm.s32 @p0 $0x1  }
0x13: {  	[smem:$0x3F97] =	sst s0;
	s0 =	simm.s32 @!p1 $0x0  }
0x14: {  	s2 =	sld [smem:$0x3F7B];
	s0 =	simm.s32 @p1 $0x1  }
0x15: {  	[smem:$0x3F98] =	sst s0;
	s0 =	simm.s32 @!p2 $0x0  }
0x16: {  	s3 =	sld [smem:$0x3FDB];
	s0 =	simm.s32 @p2 $0x1  }
0x17: {  	s4 =	simm.s32 $0x1BF5;
	[smem:$0x3F9A] =	sst s0  }
0x18: {  	s0 =	sld [smem:$0x3F7D];
	_ =	swait.ge [sflag:s4], $0x0  }
0x19: {  	s7 =	sld [smem:$0x3F7E]  }
0x1a: {  	s8 =	sadd.s32 $0xFFFFE003, lr  }
0x1b: {  	s9 =	sadd.s32 $0xFFFFFEF7, lr;
	s5 =	simm.s32 $0xFFFFFFFF;
	p2 =	slt.u32 s8, $0xFFFFF086  }
0x1c: {  	p1 =	slt.u32 s9, $0xF7A;
	s5 =	simm.s32 @!p2 $0x0  }
0x1d: {  	s5 =	simm.s32 @p1 $0x1;
	p0 =	seq.s32 s7, s2  }
0x1e: {  	s7 =	smul.u32 @!p0 $0xF7A, s2;
	p2 =	seq.s32 @!p0 s5, $0x0  }
0x1f: {  	s9 =	smul.u32 $0xF7A, s1;
	s8 =	simm.s32 @!p0 $0x1BF5;
	p2 =	por !p2, p0  }
0x20: {  	[sflag:s8] =	ssyncset.s32 @!p0 $0xFFFFF086;
	s6 =	sadd.s32 @!p0 s3, s7;
	s7 =	simm.s32 @!p0 $0x108  }
0x21: {  	s3 =	sadd.s32 s3, s9;
	s6 =	sadd.s32 @!p0 $0x88, s6;
	s7 =	simm.s32 @p2 $0x1082  }
0x22: {  	[simem:s7], [sflag:s8] =	dma.local @!p0 [hbm:s6], $0xF7A  }
0x23: {  	s9 =	sor.u32 $0xD0000000, s2;
	s6 =	simm.s32 $0x108;
	_ =	swait.ge @!p0 [sflag:s8], $0x0  }
0x24: {  	s3 =	sadd.s32 $0x88, s3;
	s6 =	simm.s32 @!p1 $0x1082;
	[sflag:s4] =	ssyncset.s32 $0xFFFFF086  }
0x25: {  	[simem:s6], [sflag:s4] =	dma.local [hbm:s3], $0xF7A  }
0x26: {  	[smem:$0x3F7E] =	sst s1;
	(tag) =	ssettag s2;
	_ =	strace s9  }
0x27: {  	s1 =	sld [smem:$0x3F8E]  }
0x28: {  	s2 =	sld [smem:$0x3F8F]  }
0x29: {  	s4 =	sld [smem:$0x3F91]  }
0x2a: {  	p0 =	seq.s32 s5, $0x0;
	s5 =	sld [smem:$0x3F92]  }
0x2b: {  	s6 =	sld [smem:$0x3F93]  }
0x2c: {  	s7 =	sld [smem:$0x3F94]  }
0x2d: {  	s3 =	simm.s32 $0x108;
	s8 =	sld [smem:$0x3F95]  }
0x2e: {  	s3 =	simm.s32 @!p0 $0x1082;
	s9 =	sld [smem:$0x3F96]  }
0x2f: {  	lr =	sadd.s32 s0, s3;
	s0 =	sld [smem:$0x3F8D]  }
0x30: {  	s3 =	sld [smem:$0x3F90]  }
0x31: {  	[smem:$0x3F99] =	sst s10  }
0x32: {  	s10 =	sld [smem:$0x3F97];
	_ =	sdelay $0x3  }
0x33: {  	p0 =	seq.s32 s10, $0x1;
	s10 =	sld [smem:$0x3F99];
	_ =	sdelay $0x3  }
0x34: {  	[smem:$0x3F99] =	sst s10  }
0x35: {  	s10 =	sld [smem:$0x3F98];
	_ =	sdelay $0x3  }
0x36: {  	p1 =	seq.s32 s10, $0x1;
	s10 =	sld [smem:$0x3F99];
	_ =	sdelay $0x3  }
0x37: {  	[smem:$0x3F99] =	sst s10  }
0x38: {  	s10 =	sld [smem:$0x3F9A]  }
0x39: {  	_ = 	snop;
	(pc) =	sbr.ind lr, $3  }
0x3a: {  	_ = 	snop  }
0x3b: {  	_ = 	snop  }
0x3c: {  	p2 =	seq.s32 s10, $0x1;
	s10 =	sld [smem:$0x3F99]  }
0x3d: {  	_ =	shalt  }
0x3e: {  	_ =	shalt  }
0x3f: {  	_ =	shalt  }
0x40: {  	_ =	shalt  }
0x41: {  	_ =	shalt  }
0x42: {  	_ =	shalt  }
0x43: {  	_ =	shalt  }
0x44: {  	_ =	shalt  }
0x45: {  	_ =	shalt  }
0x46: {  	_ =	shalt  }
0x47: {  	_ =	shalt  }
0x48: {  	_ =	shalt  }
0x49: {  	_ =	shalt  }
0x4a: {  	_ =	shalt  }
0x4b: {  	_ =	shalt  }
0x4c: {  	_ =	shalt  }
0x4d: {  	_ =	shalt  }
0x4e: {  	_ =	shalt  }
0x4f: {  	_ =	shalt  }
0x50: {  	_ =	shalt  }
0x51: {  	_ =	shalt  }
0x52: {  	_ =	shalt  }
0x53: {  	_ =	shalt  }
0x54: {  	_ =	shalt  }
0x55: {  	_ =	shalt  }
0x56: {  	_ =	shalt  }
0x57: {  	_ =	shalt  }
0x58: {  	_ =	shalt  }
0x59: {  	_ =	shalt  }
0x5a: {  	_ =	shalt  }
0x5b: {  	_ =	shalt  }
0x5c: {  	_ =	shalt  }
0x5d: {  	_ =	shalt  }
0x5e: {  	_ =	shalt  }
0x5f: {  	_ =	shalt  }
0x60: {  	_ =	shalt  }
0x61: {  	_ =	shalt  }
0x62: {  	_ =	shalt  }
0x63: {  	_ =	shalt  }
0x64: {  	_ =	shalt  }
0x65: {  	_ =	shalt  }
0x66: {  	_ =	shalt  }
0x67: {  	_ =	shalt  }
0x68: {  	_ =	shalt  }
0x69: {  	_ =	shalt  }
0x6a: {  	_ =	shalt  }
0x6b: {  	_ =	shalt  }
0x6c: {  	_ =	shalt  }
0x6d: {  	_ =	shalt  }
0x6e: {  	_ =	shalt  }
0x6f: {  	_ =	shalt  }
0x70: {  	_ =	shalt  }
0x71: {  	_ =	shalt  }
0x72: {  	_ =	shalt  }
0x73: {  	_ =	shalt  }
0x74: {  	_ =	shalt  }
0x75: {  	_ =	shalt  }
0x76: {  	_ =	shalt  }
0x77: {  	_ =	shalt  }
0x78: {  	_ =	shalt  }
0x79: {  	_ =	shalt  }
0x7a: {  	_ =	shalt  }
0x7b: {  	_ =	shalt  }
0x7c: {  	_ =	shalt  }
0x7d: {  	_ =	shalt  }
0x7e: {  	_ =	shalt  }
0x7f: {  	_ =	shalt  }
0x80: {  	_ =	shalt  }
0x81: {  	_ =	shalt  }
0x82: {  	_ =	shalt  }
0x83: {  	_ =	shalt  }
0x84: {  	_ =	shalt  }
0x85: {  	_ =	shalt  }
0x86: {  	_ =	shalt  }
0x87: {  	_ =	shalt  }
.Lfunc_end0:
.L_simem_size_0:
called_computation.1_lowered:
.L_overlay_start_0:
0x88: {  	s2 =	sld [smem:$0x3FD9]  }
0x89: {  	s3 =	sld [smem:$0x3FFE];
	_ =	sdelay $0x1  }
0x8a: {  	s1 =	srdreg.scid  }
0x8b: {  	s0 =	sand.u32 $0x1, s1  }
0x8c: {  	s16 =	sshll.u32 s0, $0xA;
	s2 =	sadd.s32 s3, s2  }
0x8d: {  	s2 =	sadd.s32 s2, s16  }
0x8e: {  	[smem:$0x3FA5] =	sst s2  }
0x8f: {  	_ = 	snop  }
0x90: {  	(tm) =	ssettm $0x1  }
0x91: {  	s17 =	sld [smem:$0x3FFB];
	_ =	sdelay $0x3  }
0x92: {  	_ =	strace s17  }
0x93: {  	s2 =	sld [smem:$0x3FFC];
	_ =	sdelay $0x3  }
0x94: {  	_ =	strace s2  }
0x95: {  	s2 =	sld [smem:$0x3FFD];
	_ =	sdelay $0x3  }
0x96: {  	_ =	strace s2  }
0x97: {  	_ =	strace $0x8FFFFFFF  }
0x98: {  	s18 =	sld [smem:$0x3FDB];
	_ =	sdelay $0x1  }
0x99: {  	s19 =	simm.s32 $_scs_section_size  }
0x9a: {  	s4 =	simm.s32 $_size__tile_overlayer_lowered;
	s5 =	simm.s32 $_tile_overlayer_lowered  }
0x9b: {  	s22 =	simm.s32 $0x1BFF;
	s21 =	sshll.u32 s5, $0x1;
	s2 =	sadd.s32 s19, s18  }
0x9c: {  	s6 =	simm.s32 $0x0;
	s20 =	sshll.u32 s4, $0x1;
	s4 =	sadd.s32 s21, s2  }
0x9d: {  	[timem:s6], [sflag:s22] =	dma.local [hbm:s4], s20  }
0x9e: {  	_ =	swait.ge [sflag:s22], s20  }
0x9f: {  	s3 =	ssub.s32 $0x0, s20;
	[sflag:s22] =	ssyncset.done $0x0  }
0xa0: {  	[sflag:s22] =	ssyncadd.s32 s3;
	_ =	sdelay $0x1  }
0xa1: {  	s23 =	simm.s32 $0x1B8B  }
0xa2: {  	_ =	swait.ge [sflag:s23], $0x1  }
0xa3: {  	[sflag:s23] =	ssyncset.done $0x0  }
0xa4: {  	s25 =	simm.s32 $0x1B8E;
	s24 =	sld [smem:$0x3FFE];
	[sflag:s23] =	ssyncadd.s32 $0xFFFFFFFF  }
0xa5: {  	s26 =	simm.s32 $execute0_lowered;
	[smem:$0x3FD2] =	sst s25  }
0xa6: {  	s4 =	sshll.u32 s26, $0x1;
	_ =	strace $0x80000049;
	[dreg:$0x1] =	wrdreg $0xFFFFFFFF  }
0xa7: {  	s28 =	simm.s32 $_size_execute0_lowered;
	s2 =	sadd.s32 s2, s4;
	[dreg:$0x0] =	wrdreg $0x0  }
0xa8: {  	s4 =	sshll.u32 s28, $0x1;
	[dreg:$0x2] =	wrdreg s2  }
0xa9: {  	[dreg:$0x3] =	wrdreg s4  }
0xaa: {  	[dreg:$0x4] =	wrdreg $0xC0  }
0xab: {  	_ =	task [dreg:s6], $0x5FFFF  }
0xac: {  	[dreg:$0x1] =	wrdreg $0xFFFFFFFF  }
0xad: {  	[dreg:$0x0] =	wrdreg $0x60  }
0xae: {  	[dreg:$0x2] =	wrdreg s24  }
0xaf: {  	[dreg:$0x3] =	wrdreg $0x90000  }
0xb0: {  	[dreg:$0x4] =	wrdreg $0x9  }
0xb1: {  	_ =	task.clear_ibuf [dreg:s6], $0x5FFFF;
	_ =	strace $0x90000049  }
0xb2: {  	s29 =	simm.s32 $0x9;
	_ =	strace $0x8000004B  }
0xb3: {  	_ =	swait.ge [sflag:s29], $0x1  }
0xb4: {  	[sflag:s29] =	ssyncadd.s32 $0xFFFFFFFF  }
0xb5: {  	_ =	strace $0x9000004B  }
0xb6: {  	_ =	sfence  }
0xb7: {  	s30 =	sld [smem:$0x0];
	_ =	sdelay $0x2  }
0xb8: {  	s31 =	sshll.u32 s1, $0xD;
	s1 =	sshrl.u32 s1, $0x2  }
0xb9: {  	s3 =	sand.u32 $0x4000, s31;
	s1 =	sadd.s32 s1, s30  }
0xba: {  	s0 =	sor.u32 s3, s0;
	s1 =	sshll.u32 s1, $0x11  }
0xbb: {  	s0 =	sor.u32 s1, s0  }
0xbc: {  	s0 =	sadd.s32 $0x8F2B, s0  }
0xbd: {  	[sflag:s0] =	ssyncadd.remote.s32 $0x1  }
0xbe: {  	_ =	sfence.sel $0xFFFF  }
0xbf: {  	[dreg:$0x0] =	wrdreg $0xFFFFFFFF;
	(pc) =	sbr.abs _section_cstart, $3  }
0xc0: {  	[dreg:$0x1] =	wrdreg $0xFFFFFFFF  }
0xc1: {  	_ =	task.clear_ibuf [dreg:s6], $0x2FFFF;
	_ =	strace $0x9FFFFFFF  }
0xc2: {  	(tm) =	ssettm $0x7FFFFFFF  }
0xc3: {  	_ =	shalt  }
tec
execute0_lowered:
.L_overlay_start_1:
0x0: {  	(tag) =	ssettag $0x1  }
0x1: {  	s6 =	rddreg [dreg:$0x0]  }
0x2: {  	s0 =	srdreg.scid;
	s2 =	rddreg [dreg:$0x1]  }
0x3: {  	s3 =	simm.s32 $0x0;
	s14 =	simm.s32 $0x5000;
	s15 =	simm.s32 $0x1  }
0x4: {  	s16 =	simm.s32 $0x2800;
	s5 =	sand.u32 $0x1, s0;
	s0 =	stileid.u32  }
0x5: {  	s17 =	simm.s32 $0x80;
	[smem:$0x7FF] =	sst s3;
	s8 =	smul.u32 $0x28000, s5  }
0x6: {  	s4 =	sadd.s32 $0x19E00, s6;
	s1 =	sshll.u32 s5, $0x4;
	s9 =	smul.u32 $0x2800, s0  }
0x7: {  	s10 =	smul.u32 $0x50000, s0;
	s5 =	ssub.s32 $0x2, s5;
	s18 =	sshll.u32 s0, $0x6  }
0x8: {  	s1 =	sor.u32 s0, s1;
	s31 =	sshrl.u32 s5, $0x1;
	s18 =	sor.u32 $0x1C01, s18  }
0x9: {  	s7 =	smul.u32 $0x500, s1;
	s1 =	rddreg [dreg:$0x2];
	_ =	strace $0x8000004A  }
0xa: {  	s8 =	sadd.s32 s9, s8;
	s10 =	sshrl.u32 s10, $0x2;
	s9 =	ssub.s32 s5, s31  }
0xb: {  	s8 =	sadd.s32 s8, s6;
	s5 =	sadd.s32 s10, s2;
	s9 =	smax.u32 s9, $0x1  }
0xc: {  	s7 =	sadd.s32 s7, s6;
	s8 =	sadd.s32 $0x41000, s8;
	s10 =	sadd.s32 $0x4000, s5  }
0xd: {  	s11 =	sadd.s32 $0x8000, s5;
	s12 =	sadd.s32 $0xC000, s5;
	s13 =	sadd.s32 $0x10000, s5  }
0xe: {  	v0 =	vimm.f32 $0.0e+00;
	s19 =	sshrl.u32 s5, $0x3;
	s6 =	sadd.s32 $0xFE00, s7;
	s7 =	sadd.s32 $0x5E00, s7  }
.LBB2_1:
0xf: {  	s20 =	simm.s32 $0x0;
	s21 =	simm.s32 $0x200  }
.LBB2_2:
0x10: {  	p0 =	sne.s32 s21, $0xFE00;
	[tilespmem:s20+$0x5070] =	vst v0  }
0x11: {  	[tilespmem:s20+$0x5000] =	vst v0  }
0x12: {  	[tilespmem:s20+$0x5010] =	vst v0  }
.Ltmp0:
0x13: {  	[tilespmem:s20+$0x5020] =	vst v0;
	(pc) =	sbr.rel @p0 .LBB2_2-.Ltmp0, $4  }
0x14: {  	[tilespmem:s20+$0x5030] =	vst v0  }
0x15: {  	[tilespmem:s20+$0x5040] =	vst v0  }
0x16: {  	[tilespmem:s20+$0x5050] =	vst v0  }
0x17: {  	[tilespmem:s20+$0x5060] =	vst v0;
	s20 =	sshra.s32 s21, $0x2;
	s21 =	sadd.s32 $0x200, s21  }
0x18: {  	[tilespmem:s20+$0x5070] =	vst v0  }
0x19: {  	[tilespmem:s20+$0x5000] =	vst v0  }
0x1a: {  	[tilespmem:s20+$0x5010] =	vst v0  }
0x1b: {  	[tilespmem:s20+$0x5020] =	vst v0  }
0x1c: {  	[tilespmem:s20+$0x5030] =	vst v0  }
0x1d: {  	[tilespmem:s20+$0x5040] =	vst v0  }
0x1e: {  	[tilespmem:s20+$0x5050] =	vst v0  }
0x1f: {  	[tilespmem:s20+$0x5060] =	vst v0  }
0x20: {  	[spmem:s5] =	stream.linear.scatter [tilespmem:s14], [sflag:$0x1], $0x4000, $0x38;
	[tilespmem:$0x1D000] =	vst v63  }
0x21: {  	_ =	swait.ge [sflag:s15], $0x4000  }
0x22: {  	[sflag:s15] =	ssyncset.done $0x0  }
0x23: {  	[sflag:s15] =	ssyncadd.s32 $0xFFFFC000  }
0x24: {  	[spmem:s10] =	stream.linear.scatter [tilespmem:s14], [sflag:$0x1], $0x4000, $0x38;
	[tilespmem:$0x1D000] =	vst v63  }
0x25: {  	_ =	swait.ge [sflag:s15], $0x4000  }
0x26: {  	[sflag:s15] =	ssyncset.done $0x0  }
0x27: {  	[sflag:s15] =	ssyncadd.s32 $0xFFFFC000  }
0x28: {  	[spmem:s11] =	stream.linear.scatter [tilespmem:s14], [sflag:$0x1], $0x4000, $0x38;
	[tilespmem:$0x1D000] =	vst v63  }
0x29: {  	_ =	swait.ge [sflag:s15], $0x4000  }
0x2a: {  	[sflag:s15] =	ssyncset.done $0x0  }
0x2b: {  	[sflag:s15] =	ssyncadd.s32 $0xFFFFC000  }
0x2c: {  	[spmem:s12] =	stream.linear.scatter [tilespmem:s14], [sflag:$0x1], $0x4000, $0x38;
	[tilespmem:$0x1D000] =	vst v63  }
0x2d: {  	_ =	swait.ge [sflag:s15], $0x4000  }
0x2e: {  	[sflag:s15] =	ssyncset.done $0x0  }
0x2f: {  	[sflag:s15] =	ssyncadd.s32 $0xFFFFC000  }
0x30: {  	[spmem:s13] =	stream.linear.scatter [tilespmem:s14], [sflag:$0x1], $0x4000, $0x38;
	[tilespmem:$0x1D000] =	vst v63  }
0x31: {  	_ =	swait.ge [sflag:s15], $0x4000  }
0x32: {  	[sflag:s15] =	ssyncset.done $0x0  }
0x33: {  	[sflag:s15] =	ssyncadd.s32 $0xFFFFC000  }
0x34: {  	s29 =	simm.s32 $0x0;
	[bflag:$0x0] =	sbarrier.arrive $0xFFFF  }
0x35: {  	[tilespmem:s29], [sflag:$0x1] =	stream.linear.gather [hbm4b:s6+s29], $0x2800, $0x38;
	[tilespmem:$0x1D000] =	vst v63  }
0x36: {  	_ =	swait.ge [sflag:s15], $0x2800  }
0x37: {  	[sflag:s15] =	ssyncset.done $0x0  }
0x38: {  	[sflag:s15] =	ssyncadd.s32 $0xFFFFD800  }
0x39: {  	[tilespmem:s16], [sflag:$0x1] =	stream.linear.gather [hbm4b:s7+s29], $0x2800, $0x38;
	[tilespmem:$0x1D000] =	vst v63  }
0x3a: {  	_ =	swait.ge [sflag:s15], $0x2800  }
0x3b: {  	[sflag:s15] =	ssyncset.done $0x0  }
0x3c: {  	s30 =	simm.s32 $0x0;
	[sflag:s15] =	ssyncadd.s32 $0xFFFFD800  }
0x3d: {  	[tilespmem:s14], [sflag:$0x1] =	stream.indirect.gather [hbm4b:s4+s17], $0x80, s30, s17, $0xb8;
	[tilespmem:$0x1D000] =	vst v63  }
0x3e: {  	_ =	swait.ge [sflag:s15], $0x4000  }
0x3f: {  	[sflag:s15] =	ssyncset.done $0x0  }
0x40: {  	s31 =	simm.s32 $0x2800;
	[sflag:s15] =	ssyncadd.s32 $0xFFFFC000  }
0x41: {  	[spmem:s2] =	stream.indirect.scatter.add.f32 [tilespmem:s14], [sflag:$0x1], $0x80, s31, s17, $0xb8;
	[tilespmem:$0x1D000] =	vst v63  }
0x42: {  	_ =	swait.ge [sflag:s15], $0x4000  }
0x43: {  	s20 =	simm.s32 $0x200;
	s21 =	simm.s32 $0x400;
	[sflag:s15] =	ssyncset.done $0x0  }
.LBB2_4:
0x44: {  	s22 =	sshra.s32 s20, $0x2  }
0x45: {  	[sflag:s15] =	ssyncadd.s32 $0xFFFFC000;
	s20 =	smov.u32 s21;
	s23 =	sadd.s32 $0x200, s21  }
0x46: {  	[tilespmem:s14], [sflag:$0x1] =	stream.indirect.gather [hbm4b:s4+s17], $0x80, s22, s17, $0xb8;
	[tilespmem:$0x1D000] =	vst v63  }
0x47: {  	p0 =	sne.s32 s21, $0x9E00;
	_ =	swait.ge [sflag:s15], $0x4000  }
.Ltmp1:
0x48: {  	[sflag:s15] =	ssyncset.done $0x0;
	(pc) =	sbr.rel @p0 .LBB2_4-.Ltmp1, $4  }
0x49: {  	s21 =	sadd.s32 $0x2800, s22;
	[sflag:s15] =	ssyncadd.s32 $0xFFFFC000  }
0x4a: {  	[spmem:s2] =	stream.indirect.scatter.add.f32 [tilespmem:s14], [sflag:$0x1], $0x80, s21, s17, $0xb8;
	[tilespmem:$0x1D000] =	vst v63  }
0x4b: {  	_ =	swait.ge [sflag:s15], $0x4000  }
0x4c: {  	s21 =	smov.u32 s23;
	[sflag:s15] =	ssyncset.done $0x0  }
0x4d: {  	s20 =	sshra.s32 s20, $0x2;
	[sflag:s15] =	ssyncadd.s32 $0xFFFFC000  }
0x4e: {  	[tilespmem:s14], [sflag:$0x1] =	stream.indirect.gather [hbm4b:s4+s17], $0x80, s20, s17, $0xb8;
	[tilespmem:$0x1D000] =	vst v63  }
0x4f: {  	_ =	swait.ge [sflag:s15], $0x4000  }
0x50: {  	[sflag:s15] =	ssyncset.done $0x0  }
0x51: {  	s20 =	sadd.s32 $0x2800, s20;
	[sflag:s15] =	ssyncadd.s32 $0xFFFFC000  }
0x52: {  	[spmem:s2] =	stream.indirect.scatter.add.f32 [tilespmem:s14], [sflag:$0x1], $0x80, s20, s17, $0xb8;
	[tilespmem:$0x1D000] =	vst v63  }
0x53: {  	_ =	swait.ge [sflag:s15], $0x4000  }
0x54: {  	s3 =	sadd.s32 $0x1, s3;
	[sflag:s15] =	ssyncset.done $0x0  }
0x55: {  	p0 =	sne.s32 s3, s9;
	[sflag:s15] =	ssyncadd.s32 $0xFFFFC000  }
.Ltmp2:
0x56: {  	[bflag:$0x0] =	sbarrier.arrive $0xFFFF;
	(pc) =	sbr.rel @p0 .LBB2_1-.Ltmp2, $4  }
0x57: {  	[hbm:s8], [sflag:s18] =	dma.local [spmem:s19], $0x2800  }
0x58: {  	_ =	swait.ge [sflag:s15], $0x2800  }
0x59: {  	[sflag:s15] =	ssyncset.done $0x0  }
0x5a: {  	[sflag:s15] =	ssyncadd.s32 $0xFFFFD800  }
0x5b: {  	_ =	sfence.sel $0x180000  }
0x5c: {  	[bflag:$0x0] =	sbarrier.arrive $0xFFFF  }
0x5d: {  	p0 =	sne.s32 s0, $0x0;
	_ =	strace $0x9000004A  }
0x5e: {  	s0 =	sadd.s32 @!p0 $0x100000, s1;
	[bflag:$0x2] =	sbarrier.arrive $0xFFFF  }
0x5f: {  	[sflag:s0] =	ssyncadd.tile.s32 @!p0 $0x1;
	_ =	shalt  }
.Lfunc_end2:
_tile_overlayer_lowered:
.L_overlay_start_2:
0x60: {  	(tag) =	ssettag $0x2  }
0x61: {  	s0 =	rddreg [dreg:$0x0];
	s2 =	stileid.u32  }
0x62: {  	s1 =	rddreg [dreg:$0x1];
	p0 =	sne.s32 s2, $0x0  }
0x63: {  	s3 =	rddreg [dreg:$0x2];
	[bflag:$0x3] =	sbarrier.arrive $0xFFFF;
	s2 =	simm.s32 @!p0 $0x1C01  }
0x64: {  	[timem:s3], [sflag:s2] =	dma.local @!p0 [hbm:s0], s1  }
0x65: {  	s0 =	simm.s32 @!p0 $0x1  }
0x66: {  	_ =	swait.ge @!p0 [sflag:s0], s1  }
0x67: {  	s1 =	ssub.s32 @!p0 $0x0, s1;
	[sflag:s0] =	ssyncset.done @!p0 $0x0  }
0x68: {  	[sflag:s0] =	ssyncadd.s32 @!p0 s1  }
0x69: {  	[bflag:$0x3] =	sbarrier.arrive $0xFFFF  }
0x6a: {  	_ =	shalt  }

// kernel: kernel.16.cloned.1.call-start
scs
__scs_entry_jumppad:
0x0: {  	(pc) =	sbr.rel $0x88, $3  }
0x1: {  	(tag) =	ssettag $0x0;
	lr =	simm.s32 $0x1  }
0x2: {  	[smem:$0x3F7E] =	sst lr;
	_ =	strace $0xD0000000  }
0x3: {  	_ = 	snop  }
0x4: {  	_ = 	snop  }
0x5: {  	_ = 	snop  }
0x6: {  	_ = 	snop  }
0x7: {  	_ = 	snop  }
__scs_overlays_trampoline_lowered:
0x8: {  	[smem:$0x3F8D] =	sst s0  }
0x9: {  	[smem:$0x3F8E] =	sst s1  }
0xa: {  	[smem:$0x3F8F] =	sst s2  }
0xb: {  	[smem:$0x3F90] =	sst s3  }
0xc: {  	[smem:$0x3F91] =	sst s4  }
0xd: {  	[smem:$0x3F92] =	sst s5  }
0xe: {  	[smem:$0x3F93] =	sst s6  }
0xf: {  	[smem:$0x3F94] =	sst s7  }
0x10: {  	[smem:$0x3F95] =	sst s8  }
0x11: {  	[smem:$0x3F96] =	sst s9;
	s0 =	simm.s32 @!p0 $0x0  }
0x12: {  	s1 =	sld [smem:$0x3F7C];
	s0 =	simm.s32 @p0 $0x1  }
0x13: {  	[smem:$0x3F97] =	sst s0;
	s0 =	simm.s32 @!p1 $0x0  }
0x14: {  	s2 =	sld [smem:$0x3F7B];
	s0 =	simm.s32 @p1 $0x1  }
0x15: {  	[smem:$0x3F98] =	sst s0;
	s0 =	simm.s32 @!p2 $0x0  }
0x16: {  	s3 =	sld [smem:$0x3FDB];
	s0 =	simm.s32 @p2 $0x1  }
0x17: {  	s4 =	simm.s32 $0x1BF5;
	[smem:$0x3F9A] =	sst s0  }
0x18: {  	s0 =	sld [smem:$0x3F7D];
	_ =	swait.ge [sflag:s4], $0x0  }
0x19: {  	s7 =	sld [smem:$0x3F7E]  }
0x1a: {  	s8 =	sadd.s32 $0xFFFFE003, lr  }
0x1b: {  	s9 =	sadd.s32 $0xFFFFFEF7, lr;
	s5 =	simm.s32 $0xFFFFFFFF;
	p2 =	slt.u32 s8, $0xFFFFF086  }
0x1c: {  	p1 =	slt.u32 s9, $0xF7A;
	s5 =	simm.s32 @!p2 $0x0  }
0x1d: {  	s5 =	simm.s32 @p1 $0x1;
	p0 =	seq.s32 s7, s2  }
0x1e: {  	s7 =	smul.u32 @!p0 $0xF7A, s2;
	p2 =	seq.s32 @!p0 s5, $0x0  }
0x1f: {  	s9 =	smul.u32 $0xF7A, s1;
	s8 =	simm.s32 @!p0 $0x1BF5;
	p2 =	por !p2, p0  }
0x20: {  	[sflag:s8] =	ssyncset.s32 @!p0 $0xFFFFF086;
	s6 =	sadd.s32 @!p0 s3, s7;
	s7 =	simm.s32 @!p0 $0x108  }
0x21: {  	s3 =	sadd.s32 s3, s9;
	s6 =	sadd.s32 @!p0 $0x88, s6;
	s7 =	simm.s32 @p2 $0x1082  }
0x22: {  	[simem:s7], [sflag:s8] =	dma.local @!p0 [hbm:s6], $0xF7A  }
0x23: {  	s9 =	sor.u32 $0xD0000000, s2;
	s6 =	simm.s32 $0x108;
	_ =	swait.ge @!p0 [sflag:s8], $0x0  }
0x24: {  	s3 =	sadd.s32 $0x88, s3;
	s6 =	simm.s32 @!p1 $0x1082;
	[sflag:s4] =	ssyncset.s32 $0xFFFFF086  }
0x25: {  	[simem:s6], [sflag:s4] =	dma.local [hbm:s3], $0xF7A  }
0x26: {  	[smem:$0x3F7E] =	sst s1;
	(tag) =	ssettag s2;
	_ =	strace s9  }
0x27: {  	s1 =	sld [smem:$0x3F8E]  }
0x28: {  	s2 =	sld [smem:$0x3F8F]  }
0x29: {  	s4 =	sld [smem:$0x3F91]  }
0x2a: {  	p0 =	seq.s32 s5, $0x0;
	s5 =	sld [smem:$0x3F92]  }
0x2b: {  	s6 =	sld [smem:$0x3F93]  }
0x2c: {  	s7 =	sld [smem:$0x3F94]  }
0x2d: {  	s3 =	simm.s32 $0x108;
	s8 =	sld [smem:$0x3F95]  }
0x2e: {  	s3 =	simm.s32 @!p0 $0x1082;
	s9 =	sld [smem:$0x3F96]  }
0x2f: {  	lr =	sadd.s32 s0, s3;
	s0 =	sld [smem:$0x3F8D]  }
0x30: {  	s3 =	sld [smem:$0x3F90]  }
0x31: {  	[smem:$0x3F99] =	sst s10  }
0x32: {  	s10 =	sld [smem:$0x3F97];
	_ =	sdelay $0x3  }
0x33: {  	p0 =	seq.s32 s10, $0x1;
	s10 =	sld [smem:$0x3F99];
	_ =	sdelay $0x3  }
0x34: {  	[smem:$0x3F99] =	sst s10  }
0x35: {  	s10 =	sld [smem:$0x3F98];
	_ =	sdelay $0x3  }
0x36: {  	p1 =	seq.s32 s10, $0x1;
	s10 =	sld [smem:$0x3F99];
	_ =	sdelay $0x3  }
0x37: {  	[smem:$0x3F99] =	sst s10  }
0x38: {  	s10 =	sld [smem:$0x3F9A]  }
0x39: {  	_ = 	snop;
	(pc) =	sbr.ind lr, $3  }
0x3a: {  	_ = 	snop  }
0x3b: {  	_ = 	snop  }
0x3c: {  	p2 =	seq.s32 s10, $0x1;
	s10 =	sld [smem:$0x3F99]  }
0x3d: {  	_ =	shalt  }
0x3e: {  	_ =	shalt  }
0x3f: {  	_ =	shalt  }
0x40: {  	_ =	shalt  }
0x41: {  	_ =	shalt  }
0x42: {  	_ =	shalt  }
0x43: {  	_ =	shalt  }
0x44: {  	_ =	shalt  }
0x45: {  	_ =	shalt  }
0x46: {  	_ =	shalt  }
0x47: {  	_ =	shalt  }
0x48: {  	_ =	shalt  }
0x49: {  	_ =	shalt  }
0x4a: {  	_ =	shalt  }
0x4b: {  	_ =	shalt  }
0x4c: {  	_ =	shalt  }
0x4d: {  	_ =	shalt  }
0x4e: {  	_ =	shalt  }
0x4f: {  	_ =	shalt  }
0x50: {  	_ =	shalt  }
0x51: {  	_ =	shalt  }
0x52: {  	_ =	shalt  }
0x53: {  	_ =	shalt  }
0x54: {  	_ =	shalt  }
0x55: {  	_ =	shalt  }
0x56: {  	_ =	shalt  }
0x57: {  	_ =	shalt  }
0x58: {  	_ =	shalt  }
0x59: {  	_ =	shalt  }
0x5a: {  	_ =	shalt  }
0x5b: {  	_ =	shalt  }
0x5c: {  	_ =	shalt  }
0x5d: {  	_ =	shalt  }
0x5e: {  	_ =	shalt  }
0x5f: {  	_ =	shalt  }
0x60: {  	_ =	shalt  }
0x61: {  	_ =	shalt  }
0x62: {  	_ =	shalt  }
0x63: {  	_ =	shalt  }
0x64: {  	_ =	shalt  }
0x65: {  	_ =	shalt  }
0x66: {  	_ =	shalt  }
0x67: {  	_ =	shalt  }
0x68: {  	_ =	shalt  }
0x69: {  	_ =	shalt  }
0x6a: {  	_ =	shalt  }
0x6b: {  	_ =	shalt  }
0x6c: {  	_ =	shalt  }
0x6d: {  	_ =	shalt  }
0x6e: {  	_ =	shalt  }
0x6f: {  	_ =	shalt  }
0x70: {  	_ =	shalt  }
0x71: {  	_ =	shalt  }
0x72: {  	_ =	shalt  }
0x73: {  	_ =	shalt  }
0x74: {  	_ =	shalt  }
0x75: {  	_ =	shalt  }
0x76: {  	_ =	shalt  }
0x77: {  	_ =	shalt  }
0x78: {  	_ =	shalt  }
0x79: {  	_ =	shalt  }
0x7a: {  	_ =	shalt  }
0x7b: {  	_ =	shalt  }
0x7c: {  	_ =	shalt  }
0x7d: {  	_ =	shalt  }
0x7e: {  	_ =	shalt  }
0x7f: {  	_ =	shalt  }
0x80: {  	_ =	shalt  }
0x81: {  	_ =	shalt  }
0x82: {  	_ =	shalt  }
0x83: {  	_ =	shalt  }
0x84: {  	_ =	shalt  }
0x85: {  	_ =	shalt  }
0x86: {  	_ =	shalt  }
0x87: {  	_ =	shalt  }
.Lfunc_end0:
.L_simem_size_0:
called_computation.2_lowered:
.L_overlay_start_0:
0x88: {  	s2 =	sld [smem:$0x3FD9]  }
0x89: {  	s3 =	sld [smem:$0x3FFE];
	_ =	sdelay $0x1  }
0x8a: {  	s1 =	srdreg.scid  }
0x8b: {  	s0 =	sand.u32 $0x1, s1  }
0x8c: {  	s16 =	sshll.u32 s0, $0xA;
	s2 =	sadd.s32 s3, s2  }
0x8d: {  	s2 =	sadd.s32 s2, s16  }
0x8e: {  	[smem:$0x3FA5] =	sst s2  }
0x8f: {  	_ = 	snop  }
0x90: {  	(tm) =	ssettm $0x1  }
0x91: {  	s17 =	sld [smem:$0x3FFB];
	_ =	sdelay $0x3  }
0x92: {  	_ =	strace s17  }
0x93: {  	s2 =	sld [smem:$0x3FFC];
	_ =	sdelay $0x3  }
0x94: {  	_ =	strace s2  }
0x95: {  	s2 =	sld [smem:$0x3FFD];
	_ =	sdelay $0x3  }
0x96: {  	_ =	strace s2  }
0x97: {  	_ =	strace $0x8FFFFFFF  }
0x98: {  	s18 =	sld [smem:$0x3FDB];
	_ =	sdelay $0x1  }
0x99: {  	s19 =	simm.s32 $_scs_section_size  }
0x9a: {  	s4 =	simm.s32 $_size__tile_overlayer_lowered;
	s5 =	simm.s32 $_tile_overlayer_lowered  }
0x9b: {  	s22 =	simm.s32 $0x1BFF;
	s21 =	sshll.u32 s5, $0x1;
	s2 =	sadd.s32 s19, s18  }
0x9c: {  	s6 =	simm.s32 $0x0;
	s20 =	sshll.u32 s4, $0x1;
	s4 =	sadd.s32 s21, s2  }
0x9d: {  	[timem:s6], [sflag:s22] =	dma.local [hbm:s4], s20  }
0x9e: {  	_ =	swait.ge [sflag:s22], s20  }
0x9f: {  	s3 =	ssub.s32 $0x0, s20;
	[sflag:s22] =	ssyncset.done $0x0  }
0xa0: {  	[sflag:s22] =	ssyncadd.s32 s3;
	_ =	sdelay $0x1  }
0xa1: {  	s23 =	simm.s32 $0x1B8B  }
0xa2: {  	_ =	swait.ge [sflag:s23], $0x1  }
0xa3: {  	[sflag:s23] =	ssyncset.done $0x0  }
0xa4: {  	s25 =	simm.s32 $0x1B8E;
	s24 =	sld [smem:$0x3FFE];
	[sflag:s23] =	ssyncadd.s32 $0xFFFFFFFF  }
0xa5: {  	s26 =	simm.s32 $execute0_lowered;
	[smem:$0x3FD2] =	sst s25  }
0xa6: {  	s4 =	sshll.u32 s26, $0x1;
	_ =	strace $0x8000004C;
	[dreg:$0x1] =	wrdreg $0xFFFFFFFF  }
0xa7: {  	s28 =	simm.s32 $_size_execute0_lowered;
	s2 =	sadd.s32 s2, s4;
	[dreg:$0x0] =	wrdreg $0x0  }
0xa8: {  	s4 =	sshll.u32 s28, $0x1;
	[dreg:$0x2] =	wrdreg s2  }
0xa9: {  	[dreg:$0x3] =	wrdreg s4  }
0xaa: {  	[dreg:$0x4] =	wrdreg $0xC0  }
0xab: {  	_ =	task [dreg:s6], $0x5FFFF  }
0xac: {  	[dreg:$0x1] =	wrdreg $0xFFFFFFFF  }
0xad: {  	[dreg:$0x0] =	wrdreg $0x60  }
0xae: {  	[dreg:$0x2] =	wrdreg s24  }
0xaf: {  	[dreg:$0x3] =	wrdreg $0x90000  }
0xb0: {  	[dreg:$0x4] =	wrdreg $0x9  }
0xb1: {  	_ =	task.clear_ibuf [dreg:s6], $0x5FFFF;
	_ =	strace $0x9000004C  }
0xb2: {  	s29 =	simm.s32 $0x9;
	_ =	strace $0x8000004E  }
0xb3: {  	_ =	swait.ge [sflag:s29], $0x1  }
0xb4: {  	[sflag:s29] =	ssyncadd.s32 $0xFFFFFFFF  }
0xb5: {  	_ =	strace $0x9000004E  }
0xb6: {  	_ =	sfence  }
0xb7: {  	s30 =	sld [smem:$0x0];
	_ =	sdelay $0x2  }
0xb8: {  	s31 =	sshll.u32 s1, $0xD;
	s1 =	sshrl.u32 s1, $0x2  }
0xb9: {  	s3 =	sand.u32 $0x4000, s31;
	s1 =	sadd.s32 s1, s30  }
0xba: {  	s0 =	sor.u32 s3, s0;
	s1 =	sshll.u32 s1, $0x11  }
0xbb: {  	s0 =	sor.u32 s1, s0  }
0xbc: {  	s0 =	sadd.s32 $0x8F2B, s0  }
0xbd: {  	[sflag:s0] =	ssyncadd.remote.s32 $0x1  }
0xbe: {  	_ =	sfence.sel $0xFFFF  }
0xbf: {  	[dreg:$0x0] =	wrdreg $0xFFFFFFFF;
	(pc) =	sbr.abs _section_cstart, $3  }
0xc0: {  	[dreg:$0x1] =	wrdreg $0xFFFFFFFF  }
0xc1: {  	_ =	task.clear_ibuf [dreg:s6], $0x2FFFF;
	_ =	strace $0x9FFFFFFF  }
0xc2: {  	(tm) =	ssettm $0x7FFFFFFF  }
0xc3: {  	_ =	shalt  }
tec
execute0_lowered:
.L_overlay_start_1:
0x0: {  	(tag) =	ssettag $0x1  }
0x1: {  	s6 =	rddreg [dreg:$0x0]  }
0x2: {  	s0 =	srdreg.scid;
	s2 =	rddreg [dreg:$0x1]  }
0x3: {  	s3 =	simm.s32 $0x0;
	s14 =	simm.s32 $0x5000;
	s15 =	simm.s32 $0x1  }
0x4: {  	s16 =	simm.s32 $0x2800;
	s5 =	sand.u32 $0x1, s0;
	s0 =	stileid.u32  }
0x5: {  	s17 =	simm.s32 $0x80;
	[smem:$0x7FF] =	sst s3;
	s8 =	smul.u32 $0x28000, s5  }
0x6: {  	s4 =	sadd.s32 $0x19E00, s6;
	s1 =	sshll.u32 s5, $0x4;
	s9 =	smul.u32 $0x2800, s0  }
0x7: {  	s10 =	smul.u32 $0x50000, s0;
	s5 =	ssub.s32 $0x2, s5;
	s18 =	sshll.u32 s0, $0x6  }
0x8: {  	s1 =	sor.u32 s0, s1;
	s31 =	sshrl.u32 s5, $0x1;
	s18 =	sor.u32 $0x1C01, s18  }
0x9: {  	s7 =	smul.u32 $0x500, s1;
	s1 =	rddreg [dreg:$0x2];
	_ =	strace $0x8000004D  }
0xa: {  	s8 =	sadd.s32 s9, s8;
	s10 =	sshrl.u32 s10, $0x2;
	s9 =	ssub.s32 s5, s31  }
0xb: {  	s8 =	sadd.s32 s8, s6;
	s5 =	sadd.s32 s10, s2;
	s9 =	smax.u32 s9, $0x1  }
0xc: {  	s7 =	sadd.s32 s7, s6;
	s8 =	sadd.s32 $0x41000, s8;
	s10 =	sadd.s32 $0x4000, s5  }
0xd: {  	s11 =	sadd.s32 $0x8000, s5;
	s12 =	sadd.s32 $0xC000, s5;
	s13 =	sadd.s32 $0x10000, s5  }
0xe: {  	v0 =	vimm.f32 $0.0e+00;
	s19 =	sshrl.u32 s5, $0x3;
	s6 =	sadd.s32 $0xFE00, s7;
	s7 =	sadd.s32 $0x5E00, s7  }
.LBB2_1:
0xf: {  	s20 =	simm.s32 $0x0;
	s21 =	simm.s32 $0x200  }
.LBB2_2:
0x10: {  	p0 =	sne.s32 s21, $0xFE00;
	[tilespmem:s20+$0x5070] =	vst v0  }
0x11: {  	[tilespmem:s20+$0x5000] =	vst v0  }
0x12: {  	[tilespmem:s20+$0x5010] =	vst v0  }
.Ltmp0:
0x13: {  	[tilespmem:s20+$0x5020] =	vst v0;
	(pc) =	sbr.rel @p0 .LBB2_2-.Ltmp0, $4  }
0x14: {  	[tilespmem:s20+$0x5030] =	vst v0  }
0x15: {  	[tilespmem:s20+$0x5040] =	vst v0  }
0x16: {  	[tilespmem:s20+$0x5050] =	vst v0  }
0x17: {  	[tilespmem:s20+$0x5060] =	vst v0;
	s20 =	sshra.s32 s21, $0x2;
	s21 =	sadd.s32 $0x200, s21  }
0x18: {  	[tilespmem:s20+$0x5070] =	vst v0  }
0x19: {  	[tilespmem:s20+$0x5000] =	vst v0  }
0x1a: {  	[tilespmem:s20+$0x5010] =	vst v0  }
0x1b: {  	[tilespmem:s20+$0x5020] =	vst v0  }
0x1c: {  	[tilespmem:s20+$0x5030] =	vst v0  }
0x1d: {  	[tilespmem:s20+$0x5040] =	vst v0  }
0x1e: {  	[tilespmem:s20+$0x5050] =	vst v0  }
0x1f: {  	[tilespmem:s20+$0x5060] =	vst v0  }
0x20: {  	[spmem:s5] =	stream.linear.scatter [tilespmem:s14], [sflag:$0x1], $0x4000, $0x38;
	[tilespmem:$0x1D000] =	vst v63  }
0x21: {  	_ =	swait.ge [sflag:s15], $0x4000  }
0x22: {  	[sflag:s15] =	ssyncset.done $0x0  }
0x23: {  	[sflag:s15] =	ssyncadd.s32 $0xFFFFC000  }
0x24: {  	[spmem:s10] =	stream.linear.scatter [tilespmem:s14], [sflag:$0x1], $0x4000, $0x38;
	[tilespmem:$0x1D000] =	vst v63  }
0x25: {  	_ =	swait.ge [sflag:s15], $0x4000  }
0x26: {  	[sflag:s15] =	ssyncset.done $0x0  }
0x27: {  	[sflag:s15] =	ssyncadd.s32 $0xFFFFC000  }
0x28: {  	[spmem:s11] =	stream.linear.scatter [tilespmem:s14], [sflag:$0x1], $0x4000, $0x38;
	[tilespmem:$0x1D000] =	vst v63  }
0x29: {  	_ =	swait.ge [sflag:s15], $0x4000  }
0x2a: {  	[sflag:s15] =	ssyncset.done $0x0  }
0x2b: {  	[sflag:s15] =	ssyncadd.s32 $0xFFFFC000  }
0x2c: {  	[spmem:s12] =	stream.linear.scatter [tilespmem:s14], [sflag:$0x1], $0x4000, $0x38;
	[tilespmem:$0x1D000] =	vst v63  }
0x2d: {  	_ =	swait.ge [sflag:s15], $0x4000  }
0x2e: {  	[sflag:s15] =	ssyncset.done $0x0  }
0x2f: {  	[sflag:s15] =	ssyncadd.s32 $0xFFFFC000  }
0x30: {  	[spmem:s13] =	stream.linear.scatter [tilespmem:s14], [sflag:$0x1], $0x4000, $0x38;
	[tilespmem:$0x1D000] =	vst v63  }
0x31: {  	_ =	swait.ge [sflag:s15], $0x4000  }
0x32: {  	[sflag:s15] =	ssyncset.done $0x0  }
0x33: {  	[sflag:s15] =	ssyncadd.s32 $0xFFFFC000  }
0x34: {  	s29 =	simm.s32 $0x0;
	[bflag:$0x0] =	sbarrier.arrive $0xFFFF  }
0x35: {  	[tilespmem:s29], [sflag:$0x1] =	stream.linear.gather [hbm4b:s6+s29], $0x2800, $0x38;
	[tilespmem:$0x1D000] =	vst v63  }
0x36: {  	_ =	swait.ge [sflag:s15], $0x2800  }
0x37: {  	[sflag:s15] =	ssyncset.done $0x0  }
0x38: {  	[sflag:s15] =	ssyncadd.s32 $0xFFFFD800  }
0x39: {  	[tilespmem:s16], [sflag:$0x1] =	stream.linear.gather [hbm4b:s7+s29], $0x2800, $0x38;
	[tilespmem:$0x1D000] =	vst v63  }
0x3a: {  	_ =	swait.ge [sflag:s15], $0x2800  }
0x3b: {  	[sflag:s15] =	ssyncset.done $0x0  }
0x3c: {  	s30 =	simm.s32 $0x0;
	[sflag:s15] =	ssyncadd.s32 $0xFFFFD800  }
0x3d: {  	[tilespmem:s14], [sflag:$0x1] =	stream.indirect.gather [hbm4b:s4+s17], $0x80, s30, s17, $0xb8;
	[tilespmem:$0x1D000] =	vst v63  }
0x3e: {  	_ =	swait.ge [sflag:s15], $0x4000  }
0x3f: {  	[sflag:s15] =	ssyncset.done $0x0  }
0x40: {  	s31 =	simm.s32 $0x2800;
	[sflag:s15] =	ssyncadd.s32 $0xFFFFC000  }
0x41: {  	[spmem:s2] =	stream.indirect.scatter.add.f32 [tilespmem:s14], [sflag:$0x1], $0x80, s31, s17, $0xb8;
	[tilespmem:$0x1D000] =	vst v63  }
0x42: {  	_ =	swait.ge [sflag:s15], $0x4000  }
0x43: {  	s20 =	simm.s32 $0x200;
	s21 =	simm.s32 $0x400;
	[sflag:s15] =	ssyncset.done $0x0  }
.LBB2_4:
0x44: {  	s22 =	sshra.s32 s20, $0x2  }
0x45: {  	[sflag:s15] =	ssyncadd.s32 $0xFFFFC000;
	s20 =	smov.u32 s21;
	s23 =	sadd.s32 $0x200, s21  }
0x46: {  	[tilespmem:s14], [sflag:$0x1] =	stream.indirect.gather [hbm4b:s4+s17], $0x80, s22, s17, $0xb8;
	[tilespmem:$0x1D000] =	vst v63  }
0x47: {  	p0 =	sne.s32 s21, $0x9E00;
	_ =	swait.ge [sflag:s15], $0x4000  }
.Ltmp1:
0x48: {  	[sflag:s15] =	ssyncset.done $0x0;
	(pc) =	sbr.rel @p0 .LBB2_4-.Ltmp1, $4  }
0x49: {  	s21 =	sadd.s32 $0x2800, s22;
	[sflag:s15] =	ssyncadd.s32 $0xFFFFC000  }
0x4a: {  	[spmem:s2] =	stream.indirect.scatter.add.f32 [tilespmem:s14], [sflag:$0x1], $0x80, s21, s17, $0xb8;
	[tilespmem:$0x1D000] =	vst v63  }
0x4b: {  	_ =	swait.ge [sflag:s15], $0x4000  }
0x4c: {  	s21 =	smov.u32 s23;
	[sflag:s15] =	ssyncset.done $0x0  }
0x4d: {  	s20 =	sshra.s32 s20, $0x2;
	[sflag:s15] =	ssyncadd.s32 $0xFFFFC000  }
0x4e: {  	[tilespmem:s14], [sflag:$0x1] =	stream.indirect.gather [hbm4b:s4+s17], $0x80, s20, s17, $0xb8;
	[tilespmem:$0x1D000] =	vst v63  }
0x4f: {  	_ =	swait.ge [sflag:s15], $0x4000  }
0x50: {  	[sflag:s15] =	ssyncset.done $0x0  }
0x51: {  	s20 =	sadd.s32 $0x2800, s20;
	[sflag:s15] =	ssyncadd.s32 $0xFFFFC000  }
0x52: {  	[spmem:s2] =	stream.indirect.scatter.add.f32 [tilespmem:s14], [sflag:$0x1], $0x80, s20, s17, $0xb8;
	[tilespmem:$0x1D000] =	vst v63  }
0x53: {  	_ =	swait.ge [sflag:s15], $0x4000  }
0x54: {  	s3 =	sadd.s32 $0x1, s3;
	[sflag:s15] =	ssyncset.done $0x0  }
0x55: {  	p0 =	sne.s32 s3, s9;
	[sflag:s15] =	ssyncadd.s32 $0xFFFFC000  }
.Ltmp2:
0x56: {  	[bflag:$0x0] =	sbarrier.arrive $0xFFFF;
	(pc) =	sbr.rel @p0 .LBB2_1-.Ltmp2, $4  }
0x57: {  	[hbm:s8], [sflag:s18] =	dma.local [spmem:s19], $0x2800  }
0x58: {  	_ =	swait.ge [sflag:s15], $0x2800  }
0x59: {  	[sflag:s15] =	ssyncset.done $0x0  }
0x5a: {  	[sflag:s15] =	ssyncadd.s32 $0xFFFFD800  }
0x5b: {  	_ =	sfence.sel $0x180000  }
0x5c: {  	[bflag:$0x0] =	sbarrier.arrive $0xFFFF  }
0x5d: {  	p0 =	sne.s32 s0, $0x0;
	_ =	strace $0x9000004D  }
0x5e: {  	s0 =	sadd.s32 @!p0 $0x100000, s1;
	[bflag:$0x2] =	sbarrier.arrive $0xFFFF  }
0x5f: {  	[sflag:s0] =	ssyncadd.tile.s32 @!p0 $0x1;
	_ =	shalt  }
.Lfunc_end2:
_tile_overlayer_lowered:
.L_overlay_start_2:
0x60: {  	(tag) =	ssettag $0x2  }
0x61: {  	s0 =	rddreg [dreg:$0x0];
	s2 =	stileid.u32  }
0x62: {  	s1 =	rddreg [dreg:$0x1];
	p0 =	sne.s32 s2, $0x0  }
0x63: {  	s3 =	rddreg [dreg:$0x2];
	[bflag:$0x3] =	sbarrier.arrive $0xFFFF;
	s2 =	simm.s32 @!p0 $0x1C01  }
0x64: {  	[timem:s3], [sflag:s2] =	dma.local @!p0 [hbm:s0], s1  }
0x65: {  	s0 =	simm.s32 @!p0 $0x1  }
0x66: {  	_ =	swait.ge @!p0 [sflag:s0], s1  }
0x67: {  	s1 =	ssub.s32 @!p0 $0x0, s1;
	[sflag:s0] =	ssyncset.done @!p0 $0x0  }
0x68: {  	[sflag:s0] =	ssyncadd.s32 @!p0 s1  }
0x69: {  	[bflag:$0x3] =	sbarrier.arrive $0xFFFF  }
0x6a: {  	_ =	shalt  }

// kernel: kernel.19.cloned.1.call-start
scs
__scs_entry_jumppad:
0x0: {  	(pc) =	sbr.rel $0x88, $3  }
0x1: {  	(tag) =	ssettag $0x0;
	lr =	simm.s32 $0x1  }
0x2: {  	[smem:$0x3F7E] =	sst lr;
	_ =	strace $0xD0000000  }
0x3: {  	_ = 	snop  }
0x4: {  	_ = 	snop  }
0x5: {  	_ = 	snop  }
0x6: {  	_ = 	snop  }
0x7: {  	_ = 	snop  }
__scs_overlays_trampoline_lowered:
0x8: {  	[smem:$0x3F8D] =	sst s0  }
0x9: {  	[smem:$0x3F8E] =	sst s1  }
0xa: {  	[smem:$0x3F8F] =	sst s2  }
0xb: {  	[smem:$0x3F90] =	sst s3  }
0xc: {  	[smem:$0x3F91] =	sst s4  }
0xd: {  	[smem:$0x3F92] =	sst s5  }
0xe: {  	[smem:$0x3F93] =	sst s6  }
0xf: {  	[smem:$0x3F94] =	sst s7  }
0x10: {  	[smem:$0x3F95] =	sst s8  }
0x11: {  	[smem:$0x3F96] =	sst s9;
	s0 =	simm.s32 @!p0 $0x0  }
0x12: {  	s1 =	sld [smem:$0x3F7C];
	s0 =	simm.s32 @p0 $0x1  }
0x13: {  	[smem:$0x3F97] =	sst s0;
	s0 =	simm.s32 @!p1 $0x0  }
0x14: {  	s2 =	sld [smem:$0x3F7B];
	s0 =	simm.s32 @p1 $0x1  }
0x15: {  	[smem:$0x3F98] =	sst s0;
	s0 =	simm.s32 @!p2 $0x0  }
0x16: {  	s3 =	sld [smem:$0x3FDB];
	s0 =	simm.s32 @p2 $0x1  }
0x17: {  	s4 =	simm.s32 $0x1BF5;
	[smem:$0x3F9A] =	sst s0  }
0x18: {  	s0 =	sld [smem:$0x3F7D];
	_ =	swait.ge [sflag:s4], $0x0  }
0x19: {  	s7 =	sld [smem:$0x3F7E]  }
0x1a: {  	s8 =	sadd.s32 $0xFFFFE003, lr  }
0x1b: {  	s9 =	sadd.s32 $0xFFFFFEF7, lr;
	s5 =	simm.s32 $0xFFFFFFFF;
	p2 =	slt.u32 s8, $0xFFFFF086  }
0x1c: {  	p1 =	slt.u32 s9, $0xF7A;
	s5 =	simm.s32 @!p2 $0x0  }
0x1d: {  	s5 =	simm.s32 @p1 $0x1;
	p0 =	seq.s32 s7, s2  }
0x1e: {  	s7 =	smul.u32 @!p0 $0xF7A, s2;
	p2 =	seq.s32 @!p0 s5, $0x0  }
0x1f: {  	s9 =	smul.u32 $0xF7A, s1;
	s8 =	simm.s32 @!p0 $0x1BF5;
	p2 =	por !p2, p0  }
0x20: {  	[sflag:s8] =	ssyncset.s32 @!p0 $0xFFFFF086;
	s6 =	sadd.s32 @!p0 s3, s7;
	s7 =	simm.s32 @!p0 $0x108  }
0x21: {  	s3 =	sadd.s32 s3, s9;
	s6 =	sadd.s32 @!p0 $0x88, s6;
	s7 =	simm.s32 @p2 $0x1082  }
0x22: {  	[simem:s7], [sflag:s8] =	dma.local @!p0 [hbm:s6], $0xF7A  }
0x23: {  	s9 =	sor.u32 $0xD0000000, s2;
	s6 =	simm.s32 $0x108;
	_ =	swait.ge @!p0 [sflag:s8], $0x0  }
0x24: {  	s3 =	sadd.s32 $0x88, s3;
	s6 =	simm.s32 @!p1 $0x1082;
	[sflag:s4] =	ssyncset.s32 $0xFFFFF086  }
0x25: {  	[simem:s6], [sflag:s4] =	dma.local [hbm:s3], $0xF7A  }
0x26: {  	[smem:$0x3F7E] =	sst s1;
	(tag) =	ssettag s2;
	_ =	strace s9  }
0x27: {  	s1 =	sld [smem:$0x3F8E]  }
0x28: {  	s2 =	sld [smem:$0x3F8F]  }
0x29: {  	s4 =	sld [smem:$0x3F91]  }
0x2a: {  	p0 =	seq.s32 s5, $0x0;
	s5 =	sld [smem:$0x3F92]  }
0x2b: {  	s6 =	sld [smem:$0x3F93]  }
0x2c: {  	s7 =	sld [smem:$0x3F94]  }
0x2d: {  	s3 =	simm.s32 $0x108;
	s8 =	sld [smem:$0x3F95]  }
0x2e: {  	s3 =	simm.s32 @!p0 $0x1082;
	s9 =	sld [smem:$0x3F96]  }
0x2f: {  	lr =	sadd.s32 s0, s3;
	s0 =	sld [smem:$0x3F8D]  }
0x30: {  	s3 =	sld [smem:$0x3F90]  }
0x31: {  	[smem:$0x3F99] =	sst s10  }
0x32: {  	s10 =	sld [smem:$0x3F97];
	_ =	sdelay $0x3  }
0x33: {  	p0 =	seq.s32 s10, $0x1;
	s10 =	sld [smem:$0x3F99];
	_ =	sdelay $0x3  }
0x34: {  	[smem:$0x3F99] =	sst s10  }
0x35: {  	s10 =	sld [smem:$0x3F98];
	_ =	sdelay $0x3  }
0x36: {  	p1 =	seq.s32 s10, $0x1;
	s10 =	sld [smem:$0x3F99];
	_ =	sdelay $0x3  }
0x37: {  	[smem:$0x3F99] =	sst s10  }
0x38: {  	s10 =	sld [smem:$0x3F9A]  }
0x39: {  	_ = 	snop;
	(pc) =	sbr.ind lr, $3  }
0x3a: {  	_ = 	snop  }
0x3b: {  	_ = 	snop  }
0x3c: {  	p2 =	seq.s32 s10, $0x1;
	s10 =	sld [smem:$0x3F99]  }
0x3d: {  	_ =	shalt  }
0x3e: {  	_ =	shalt  }
0x3f: {  	_ =	shalt  }
0x40: {  	_ =	shalt  }
0x41: {  	_ =	shalt  }
0x42: {  	_ =	shalt  }
0x43: {  	_ =	shalt  }
0x44: {  	_ =	shalt  }
0x45: {  	_ =	shalt  }
0x46: {  	_ =	shalt  }
0x47: {  	_ =	shalt  }
0x48: {  	_ =	shalt  }
0x49: {  	_ =	shalt  }
0x4a: {  	_ =	shalt  }
0x4b: {  	_ =	shalt  }
0x4c: {  	_ =	shalt  }
0x4d: {  	_ =	shalt  }
0x4e: {  	_ =	shalt  }
0x4f: {  	_ =	shalt  }
0x50: {  	_ =	shalt  }
0x51: {  	_ =	shalt  }
0x52: {  	_ =	shalt  }
0x53: {  	_ =	shalt  }
0x54: {  	_ =	shalt  }
0x55: {  	_ =	shalt  }
0x56: {  	_ =	shalt  }
0x57: {  	_ =	shalt  }
0x58: {  	_ =	shalt  }
0x59: {  	_ =	shalt  }
0x5a: {  	_ =	shalt  }
0x5b: {  	_ =	shalt  }
0x5c: {  	_ =	shalt  }
0x5d: {  	_ =	shalt  }
0x5e: {  	_ =	shalt  }
0x5f: {  	_ =	shalt  }
0x60: {  	_ =	shalt  }
0x61: {  	_ =	shalt  }
0x62: {  	_ =	shalt  }
0x63: {  	_ =	shalt  }
0x64: {  	_ =	shalt  }
0x65: {  	_ =	shalt  }
0x66: {  	_ =	shalt  }
0x67: {  	_ =	shalt  }
0x68: {  	_ =	shalt  }
0x69: {  	_ =	shalt  }
0x6a: {  	_ =	shalt  }
0x6b: {  	_ =	shalt  }
0x6c: {  	_ =	shalt  }
0x6d: {  	_ =	shalt  }
0x6e: {  	_ =	shalt  }
0x6f: {  	_ =	shalt  }
0x70: {  	_ =	shalt  }
0x71: {  	_ =	shalt  }
0x72: {  	_ =	shalt  }
0x73: {  	_ =	shalt  }
0x74: {  	_ =	shalt  }
0x75: {  	_ =	shalt  }
0x76: {  	_ =	shalt  }
0x77: {  	_ =	shalt  }
0x78: {  	_ =	shalt  }
0x79: {  	_ =	shalt  }
0x7a: {  	_ =	shalt  }
0x7b: {  	_ =	shalt  }
0x7c: {  	_ =	shalt  }
0x7d: {  	_ =	shalt  }
0x7e: {  	_ =	shalt  }
0x7f: {  	_ =	shalt  }
0x80: {  	_ =	shalt  }
0x81: {  	_ =	shalt  }
0x82: {  	_ =	shalt  }
0x83: {  	_ =	shalt  }
0x84: {  	_ =	shalt  }
0x85: {  	_ =	shalt  }
0x86: {  	_ =	shalt  }
0x87: {  	_ =	shalt  }
.Lfunc_end0:
.L_simem_size_0:
called_computation.3_lowered:
.L_overlay_start_0:
0x88: {  	s2 =	sld [smem:$0x3FD9]  }
0x89: {  	s3 =	sld [smem:$0x3FFE];
	_ =	sdelay $0x1  }
0x8a: {  	s1 =	srdreg.scid  }
0x8b: {  	s0 =	sand.u32 $0x1, s1  }
0x8c: {  	s16 =	sshll.u32 s0, $0xA;
	s2 =	sadd.s32 s3, s2  }
0x8d: {  	s2 =	sadd.s32 s2, s16  }
0x8e: {  	[smem:$0x3FA5] =	sst s2  }
0x8f: {  	_ = 	snop  }
0x90: {  	(tm) =	ssettm $0x1  }
0x91: {  	s17 =	sld [smem:$0x3FFB];
	_ =	sdelay $0x3  }
0x92: {  	_ =	strace s17  }
0x93: {  	s2 =	sld [smem:$0x3FFC];
	_ =	sdelay $0x3  }
0x94: {  	_ =	strace s2  }
0x95: {  	s2 =	sld [smem:$0x3FFD];
	_ =	sdelay $0x3  }
0x96: {  	_ =	strace s2  }
0x97: {  	_ =	strace $0x8FFFFFFF  }
0x98: {  	s18 =	sld [smem:$0x3FDB];
	_ =	sdelay $0x1  }
0x99: {  	s19 =	simm.s32 $_scs_section_size  }
0x9a: {  	s4 =	simm.s32 $_size__tile_overlayer_lowered;
	s5 =	simm.s32 $_tile_overlayer_lowered  }
0x9b: {  	s22 =	simm.s32 $0x1BFF;
	s21 =	sshll.u32 s5, $0x1;
	s2 =	sadd.s32 s19, s18  }
0x9c: {  	s6 =	simm.s32 $0x0;
	s20 =	sshll.u32 s4, $0x1;
	s4 =	sadd.s32 s21, s2  }
0x9d: {  	[timem:s6], [sflag:s22] =	dma.local [hbm:s4], s20  }
0x9e: {  	_ =	swait.ge [sflag:s22], s20  }
0x9f: {  	s3 =	ssub.s32 $0x0, s20;
	[sflag:s22] =	ssyncset.done $0x0  }
0xa0: {  	[sflag:s22] =	ssyncadd.s32 s3;
	_ =	sdelay $0x1  }
0xa1: {  	s23 =	simm.s32 $0x1B8B  }
0xa2: {  	_ =	swait.ge [sflag:s23], $0x1  }
0xa3: {  	[sflag:s23] =	ssyncset.done $0x0  }
0xa4: {  	s25 =	simm.s32 $0x1B8E;
	s24 =	sld [smem:$0x3FFE];
	[sflag:s23] =	ssyncadd.s32 $0xFFFFFFFF  }
0xa5: {  	s26 =	simm.s32 $execute0_lowered;
	[smem:$0x3FD2] =	sst s25  }
0xa6: {  	s4 =	sshll.u32 s26, $0x1;
	_ =	strace $0x8000004F;
	[dreg:$0x1] =	wrdreg $0xFFFFFFFF  }
0xa7: {  	s28 =	simm.s32 $_size_execute0_lowered;
	s2 =	sadd.s32 s2, s4;
	[dreg:$0x0] =	wrdreg $0x0  }
0xa8: {  	s4 =	sshll.u32 s28, $0x1;
	[dreg:$0x2] =	wrdreg s2  }
0xa9: {  	[dreg:$0x3] =	wrdreg s4  }
0xaa: {  	[dreg:$0x4] =	wrdreg $0xC0  }
0xab: {  	_ =	task [dreg:s6], $0x5FFFF  }
0xac: {  	[dreg:$0x1] =	wrdreg $0xFFFFFFFF  }
0xad: {  	[dreg:$0x0] =	wrdreg $0x60  }
0xae: {  	[dreg:$0x2] =	wrdreg s24  }
0xaf: {  	[dreg:$0x3] =	wrdreg $0x90000  }
0xb0: {  	[dreg:$0x4] =	wrdreg $0x9  }
0xb1: {  	_ =	task.clear_ibuf [dreg:s6], $0x5FFFF;
	_ =	strace $0x9000004F  }
0xb2: {  	s29 =	simm.s32 $0x9;
	_ =	strace $0x80000051  }
0xb3: {  	_ =	swait.ge [sflag:s29], $0x1  }
0xb4: {  	[sflag:s29] =	ssyncadd.s32 $0xFFFFFFFF  }
0xb5: {  	_ =	strace $0x90000051  }
0xb6: {  	_ =	sfence  }
0xb7: {  	s30 =	sld [smem:$0x0];
	_ =	sdelay $0x2  }
0xb8: {  	s31 =	sshll.u32 s1, $0xD;
	s1 =	sshrl.u32 s1, $0x2  }
0xb9: {  	s3 =	sand.u32 $0x4000, s31;
	s1 =	sadd.s32 s1, s30  }
0xba: {  	s0 =	sor.u32 s3, s0;
	s1 =	sshll.u32 s1, $0x11  }
0xbb: {  	s0 =	sor.u32 s1, s0  }
0xbc: {  	s0 =	sadd.s32 $0x8F2B, s0  }
0xbd: {  	[sflag:s0] =	ssyncadd.remote.s32 $0x1  }
0xbe: {  	_ =	sfence.sel $0xFFFF  }
0xbf: {  	[dreg:$0x0] =	wrdreg $0xFFFFFFFF;
	(pc) =	sbr.abs _section_cstart, $3  }
0xc0: {  	[dreg:$0x1] =	wrdreg $0xFFFFFFFF  }
0xc1: {  	_ =	task.clear_ibuf [dreg:s6], $0x2FFFF;
	_ =	strace $0x9FFFFFFF  }
0xc2: {  	(tm) =	ssettm $0x7FFFFFFF  }
0xc3: {  	_ =	shalt  }
tec
execute0_lowered:
.L_overlay_start_1:
0x0: {  	(tag) =	ssettag $0x1  }
0x1: {  	s6 =	rddreg [dreg:$0x0]  }
0x2: {  	s0 =	srdreg.scid;
	s2 =	rddreg [dreg:$0x1]  }
0x3: {  	s3 =	simm.s32 $0x0;
	s14 =	simm.s32 $0x5000;
	s15 =	simm.s32 $0x1  }
0x4: {  	s16 =	simm.s32 $0x2800;
	s5 =	sand.u32 $0x1, s0;
	s0 =	stileid.u32  }
0x5: {  	s17 =	simm.s32 $0x80;
	[smem:$0x7FF] =	sst s3;
	s8 =	smul.u32 $0x28000, s5  }
0x6: {  	s4 =	sadd.s32 $0x19E00, s6;
	s1 =	sshll.u32 s5, $0x4;
	s9 =	smul.u32 $0x2800, s0  }
0x7: {  	s10 =	smul.u32 $0x50000, s0;
	s5 =	ssub.s32 $0x2, s5;
	s18 =	sshll.u32 s0, $0x6  }
0x8: {  	s1 =	sor.u32 s0, s1;
	s31 =	sshrl.u32 s5, $0x1;
	s18 =	sor.u32 $0x1C01, s18  }
0x9: {  	s7 =	smul.u32 $0x500, s1;
	s1 =	rddreg [dreg:$0x2];
	_ =	strace $0x80000050  }
0xa: {  	s8 =	sadd.s32 s9, s8;
	s10 =	sshrl.u32 s10, $0x2;
	s9 =	ssub.s32 s5, s31  }
0xb: {  	s8 =	sadd.s32 s8, s6;
	s5 =	sadd.s32 s10, s2;
	s9 =	smax.u32 s9, $0x1  }
0xc: {  	s7 =	sadd.s32 s7, s6;
	s8 =	sadd.s32 $0x41000, s8;
	s10 =	sadd.s32 $0x4000, s5  }
0xd: {  	s11 =	sadd.s32 $0x8000, s5;
	s12 =	sadd.s32 $0xC000, s5;
	s13 =	sadd.s32 $0x10000, s5  }
0xe: {  	v0 =	vimm.f32 $0.0e+00;
	s19 =	sshrl.u32 s5, $0x3;
	s6 =	sadd.s32 $0xFE00, s7;
	s7 =	sadd.s32 $0x5E00, s7  }
.LBB2_1:
0xf: {  	s20 =	simm.s32 $0x0;
	s21 =	simm.s32 $0x200  }
.LBB2_2:
0x10: {  	p0 =	sne.s32 s21, $0xFE00;
	[tilespmem:s20+$0x5070] =	vst v0  }
0x11: {  	[tilespmem:s20+$0x5000] =	vst v0  }
0x12: {  	[tilespmem:s20+$0x5010] =	vst v0  }
.Ltmp0:
0x13: {  	[tilespmem:s20+$0x5020] =	vst v0;
	(pc) =	sbr.rel @p0 .LBB2_2-.Ltmp0, $4  }
0x14: {  	[tilespmem:s20+$0x5030] =	vst v0  }
0x15: {  	[tilespmem:s20+$0x5040] =	vst v0  }
0x16: {  	[tilespmem:s20+$0x5050] =	vst v0  }
0x17: {  	[tilespmem:s20+$0x5060] =	vst v0;
	s20 =	sshra.s32 s21, $0x2;
	s21 =	sadd.s32 $0x200, s21  }
0x18: {  	[tilespmem:s20+$0x5070] =	vst v0  }
0x19: {  	[tilespmem:s20+$0x5000] =	vst v0  }
0x1a: {  	[tilespmem:s20+$0x5010] =	vst v0  }
0x1b: {  	[tilespmem:s20+$0x5020] =	vst v0  }
0x1c: {  	[tilespmem:s20+$0x5030] =	vst v0  }
0x1d: {  	[tilespmem:s20+$0x5040] =	vst v0  }
0x1e: {  	[tilespmem:s20+$0x5050] =	vst v0  }
0x1f: {  	[tilespmem:s20+$0x5060] =	vst v0  }
0x20: {  	[spmem:s5] =	stream.linear.scatter [tilespmem:s14], [sflag:$0x1], $0x4000, $0x38;
	[tilespmem:$0x1D000] =	vst v63  }
0x21: {  	_ =	swait.ge [sflag:s15], $0x4000  }
0x22: {  	[sflag:s15] =	ssyncset.done $0x0  }
0x23: {  	[sflag:s15] =	ssyncadd.s32 $0xFFFFC000  }
0x24: {  	[spmem:s10] =	stream.linear.scatter [tilespmem:s14], [sflag:$0x1], $0x4000, $0x38;
	[tilespmem:$0x1D000] =	vst v63  }
0x25: {  	_ =	swait.ge [sflag:s15], $0x4000  }
0x26: {  	[sflag:s15] =	ssyncset.done $0x0  }
0x27: {  	[sflag:s15] =	ssyncadd.s32 $0xFFFFC000  }
0x28: {  	[spmem:s11] =	stream.linear.scatter [tilespmem:s14], [sflag:$0x1], $0x4000, $0x38;
	[tilespmem:$0x1D000] =	vst v63  }
0x29: {  	_ =	swait.ge [sflag:s15], $0x4000  }
0x2a: {  	[sflag:s15] =	ssyncset.done $0x0  }
0x2b: {  	[sflag:s15] =	ssyncadd.s32 $0xFFFFC000  }
0x2c: {  	[spmem:s12] =	stream.linear.scatter [tilespmem:s14], [sflag:$0x1], $0x4000, $0x38;
	[tilespmem:$0x1D000] =	vst v63  }
0x2d: {  	_ =	swait.ge [sflag:s15], $0x4000  }
0x2e: {  	[sflag:s15] =	ssyncset.done $0x0  }
0x2f: {  	[sflag:s15] =	ssyncadd.s32 $0xFFFFC000  }
0x30: {  	[spmem:s13] =	stream.linear.scatter [tilespmem:s14], [sflag:$0x1], $0x4000, $0x38;
	[tilespmem:$0x1D000] =	vst v63  }
0x31: {  	_ =	swait.ge [sflag:s15], $0x4000  }
0x32: {  	[sflag:s15] =	ssyncset.done $0x0  }
0x33: {  	[sflag:s15] =	ssyncadd.s32 $0xFFFFC000  }
0x34: {  	s29 =	simm.s32 $0x0;
	[bflag:$0x0] =	sbarrier.arrive $0xFFFF  }
0x35: {  	[tilespmem:s29], [sflag:$0x1] =	stream.linear.gather [hbm4b:s6+s29], $0x2800, $0x38;
	[tilespmem:$0x1D000] =	vst v63  }
0x36: {  	_ =	swait.ge [sflag:s15], $0x2800  }
0x37: {  	[sflag:s15] =	ssyncset.done $0x0  }
0x38: {  	[sflag:s15] =	ssyncadd.s32 $0xFFFFD800  }
0x39: {  	[tilespmem:s16], [sflag:$0x1] =	stream.linear.gather [hbm4b:s7+s29], $0x2800, $0x38;
	[tilespmem:$0x1D000] =	vst v63  }
0x3a: {  	_ =	swait.ge [sflag:s15], $0x2800  }
0x3b: {  	[sflag:s15] =	ssyncset.done $0x0  }
0x3c: {  	s30 =	simm.s32 $0x0;
	[sflag:s15] =	ssyncadd.s32 $0xFFFFD800  }
0x3d: {  	[tilespmem:s14], [sflag:$0x1] =	stream.indirect.gather [hbm4b:s4+s17], $0x80, s30, s17, $0xb8;
	[tilespmem:$0x1D000] =	vst v63  }
0x3e: {  	_ =	swait.ge [sflag:s15], $0x4000  }
0x3f: {  	[sflag:s15] =	ssyncset.done $0x0  }
0x40: {  	s31 =	simm.s32 $0x2800;
	[sflag:s15] =	ssyncadd.s32 $0xFFFFC000  }
0x41: {  	[spmem:s2] =	stream.indirect.scatter.add.f32 [tilespmem:s14], [sflag:$0x1], $0x80, s31, s17, $0xb8;
	[tilespmem:$0x1D000] =	vst v63  }
0x42: {  	_ =	swait.ge [sflag:s15], $0x4000  }
0x43: {  	s20 =	simm.s32 $0x200;
	s21 =	simm.s32 $0x400;
	[sflag:s15] =	ssyncset.done $0x0  }
.LBB2_4:
0x44: {  	s22 =	sshra.s32 s20, $0x2  }
0x45: {  	[sflag:s15] =	ssyncadd.s32 $0xFFFFC000;
	s20 =	smov.u32 s21;
	s23 =	sadd.s32 $0x200, s21  }
0x46: {  	[tilespmem:s14], [sflag:$0x1] =	stream.indirect.gather [hbm4b:s4+s17], $0x80, s22, s17, $0xb8;
	[tilespmem:$0x1D000] =	vst v63  }
0x47: {  	p0 =	sne.s32 s21, $0x9E00;
	_ =	swait.ge [sflag:s15], $0x4000  }
.Ltmp1:
0x48: {  	[sflag:s15] =	ssyncset.done $0x0;
	(pc) =	sbr.rel @p0 .LBB2_4-.Ltmp1, $4  }
0x49: {  	s21 =	sadd.s32 $0x2800, s22;
	[sflag:s15] =	ssyncadd.s32 $0xFFFFC000  }
0x4a: {  	[spmem:s2] =	stream.indirect.scatter.add.f32 [tilespmem:s14], [sflag:$0x1], $0x80, s21, s17, $0xb8;
	[tilespmem:$0x1D000] =	vst v63  }
0x4b: {  	_ =	swait.ge [sflag:s15], $0x4000  }
0x4c: {  	s21 =	smov.u32 s23;
	[sflag:s15] =	ssyncset.done $0x0  }
0x4d: {  	s20 =	sshra.s32 s20, $0x2;
	[sflag:s15] =	ssyncadd.s32 $0xFFFFC000  }
0x4e: {  	[tilespmem:s14], [sflag:$0x1] =	stream.indirect.gather [hbm4b:s4+s17], $0x80, s20, s17, $0xb8;
	[tilespmem:$0x1D000] =	vst v63  }
0x4f: {  	_ =	swait.ge [sflag:s15], $0x4000  }
0x50: {  	[sflag:s15] =	ssyncset.done $0x0  }
0x51: {  	s20 =	sadd.s32 $0x2800, s20;
	[sflag:s15] =	ssyncadd.s32 $0xFFFFC000  }
0x52: {  	[spmem:s2] =	stream.indirect.scatter.add.f32 [tilespmem:s14], [sflag:$0x1], $0x80, s20, s17, $0xb8;
	[tilespmem:$0x1D000] =	vst v63  }
0x53: {  	_ =	swait.ge [sflag:s15], $0x4000  }
0x54: {  	s3 =	sadd.s32 $0x1, s3;
	[sflag:s15] =	ssyncset.done $0x0  }
0x55: {  	p0 =	sne.s32 s3, s9;
	[sflag:s15] =	ssyncadd.s32 $0xFFFFC000  }
.Ltmp2:
0x56: {  	[bflag:$0x0] =	sbarrier.arrive $0xFFFF;
	(pc) =	sbr.rel @p0 .LBB2_1-.Ltmp2, $4  }
0x57: {  	[hbm:s8], [sflag:s18] =	dma.local [spmem:s19], $0x2800  }
0x58: {  	_ =	swait.ge [sflag:s15], $0x2800  }
0x59: {  	[sflag:s15] =	ssyncset.done $0x0  }
0x5a: {  	[sflag:s15] =	ssyncadd.s32 $0xFFFFD800  }
0x5b: {  	_ =	sfence.sel $0x180000  }
0x5c: {  	[bflag:$0x0] =	sbarrier.arrive $0xFFFF  }
0x5d: {  	p0 =	sne.s32 s0, $0x0;
	_ =	strace $0x90000050  }
0x5e: {  	s0 =	sadd.s32 @!p0 $0x100000, s1;
	[bflag:$0x2] =	sbarrier.arrive $0xFFFF  }
0x5f: {  	[sflag:s0] =	ssyncadd.tile.s32 @!p0 $0x1;
	_ =	shalt  }
.Lfunc_end2:
_tile_overlayer_lowered:
.L_overlay_start_2:
0x60: {  	(tag) =	ssettag $0x2  }
0x61: {  	s0 =	rddreg [dreg:$0x0];
	s2 =	stileid.u32  }
0x62: {  	s1 =	rddreg [dreg:$0x1];
	p0 =	sne.s32 s2, $0x0  }
0x63: {  	s3 =	rddreg [dreg:$0x2];
	[bflag:$0x3] =	sbarrier.arrive $0xFFFF;
	s2 =	simm.s32 @!p0 $0x1C01  }
0x64: {  	[timem:s3], [sflag:s2] =	dma.local @!p0 [hbm:s0], s1  }
0x65: {  	s0 =	simm.s32 @!p0 $0x1  }
0x66: {  	_ =	swait.ge @!p0 [sflag:s0], s1  }
0x67: {  	s1 =	ssub.s32 @!p0 $0x0, s1;
	[sflag:s0] =	ssyncset.done @!p0 $0x0  }
0x68: {  	[sflag:s0] =	ssyncadd.s32 @!p0 s1  }
0x69: {  	[bflag:$0x3] =	sbarrier.arrive $0xFFFF  }
0x6a: {  	_ =	shalt  }

</sc_bundles>
